<compile_context>
chip_gen: v7x
topology: tpu7x:2x2x1
jax: 0.10.2.dev20260603
libtpu: 0.0.44.dev20260713+nightly
codegen_flags: <defaults>
</compile_context>

<pallas_src>
import functools

import jax
import jax.numpy as jnp
from jax import lax
from jax.experimental import pallas as pl
from jax.experimental.pallas import tpu as pltpu
from jax.experimental.pallas import tpu_sc as plsc

NV = 100000
NT = 3200000
NVPAD = 100096
W = 32
IDS = NT * 4
IDSPW = IDS // W
CH = 3200
NCH = IDSPW // CH
GR = CH // 64
CHA = 8000
NCHA = IDSPW // CHA


def _sc_body(xs, ys, zs, ihbm, pg, xg, yg, zg,
             tab, idxa, xa, idxb, xb, yb, zb, sem):
    s = lax.axis_index("s")
    c = lax.axis_index("c")
    wid = s * 2 + c
    id0 = wid * IDSPW
    iota = lax.broadcasted_iota(jnp.int32, (16,), 0)

    for tabsrc, outdst in ((xs, xg), (ys, yg), (zs, zg)):
        pltpu.sync_copy(tabsrc, tab.at[pl.ds(0, NV)])

        def achunk(i, carry):
            base = id0 + i * CHA
            pltpu.sync_copy(ihbm.at[pl.ds(base, CHA)], idxa)

            def agrp(j, carry2):
                for u in range(4):
                    ids = idxa[pl.ds(j * 64 + u * 16, 16)]
                    xa[pl.ds(j * 64 + u * 16, 16)] = plsc.load_gather(tab, [ids])
                return carry2

            lax.fori_loop(0, CHA // 64, agrp, 0)
            pltpu.sync_copy(xa, outdst.at[pl.ds(base, CHA)])
            return carry

        lax.fori_loop(0, NCHA, achunk, 0)

    def zero_body(i, carry):
        tab[pl.ds(i * 16, 16)] = jnp.zeros((16,), jnp.float32)
        return carry

    lax.fori_loop(0, NVPAD // 16, zero_body, 0)

    def bchunk(i, carry):
        base = id0 + i * CH
        h0 = pltpu.async_copy(ihbm.at[pl.ds(base, CH)], idxb, sem)
        h1 = pltpu.async_copy(xg.at[pl.ds(base, CH)], xb, sem)
        h2 = pltpu.async_copy(yg.at[pl.ds(base, CH)], yb, sem)
        h3 = pltpu.async_copy(zg.at[pl.ds(base, CH)], zb, sem)
        h0.wait()
        h1.wait()
        h2.wait()
        h3.wait()

        def bgrp(j, carry2):
            jb = j * 64
            v = []
            for k in range(4):
                pos = jb + 4 * iota + k
                v.append((plsc.load_gather(xb, [pos]),
                          plsc.load_gather(yb, [pos]),
                          plsc.load_gather(zb, [pos])))
            e1 = [v[1][d] - v[0][d] for d in range(3)]
            e2 = [v[2][d] - v[0][d] for d in range(3)]
            e3 = [v[3][d] - v[0][d] for d in range(3)]
            det = (e1[0] * (e2[1] * e3[2] - e2[2] * e3[1])
                   - e1[1] * (e2[0] * e3[2] - e2[2] * e3[0])
                   + e1[2] * (e2[0] * e3[1] - e2[1] * e3[0]))
            d16 = jnp.abs(det) * jnp.float32(1.0 / 6.0)
            vids = [plsc.load_gather(idxb, [jb + 4 * iota + k])
                    for k in range(4)]
            for k in range(4):
                cur = plsc.load_gather(tab, [vids[k]])
                plsc.store_scatter(tab, [vids[k]], jnp.maximum(cur, d16))
            pend0 = []
            for k in range(4):
                chk = plsc.load_gather(tab, [vids[k]])
                pend0.append((chk < d16).astype(jnp.int32))

            def wcond(ps):
                p0, p1, p2, p3 = ps
                return jnp.max(p0 | p1 | p2 | p3) > 0

            def wbody(ps):
                for k in range(4):
                    m = ps[k] > 0
                    cur = plsc.load_gather(tab, [vids[k]])
                    new = jnp.maximum(cur, d16)
                    plsc.store_scatter(tab, [vids[k]], new, mask=m)
                outs = []
                for k in range(4):
                    chk = plsc.load_gather(tab, [vids[k]])
                    outs.append(((ps[k] > 0) & (chk < d16)).astype(jnp.int32))
                return tuple(outs)

            lax.while_loop(wcond, wbody, tuple(pend0))
            return carry2

        lax.fori_loop(0, GR, bgrp, 0)
        return carry

    lax.fori_loop(0, NCH, bchunk, 0)
    pltpu.sync_copy(tab, pg.at[pl.ds(wid * NVPAD, NVPAD)])


def _tc_reduce_body(p_ref, o_ref):
    o_ref[...] = jnp.max(p_ref[...], axis=0)


def kernel(vertices, indices):
    idx_flat = indices.astype(jnp.int32).reshape(IDS)
    xs = vertices[:, 0]
    ys = vertices[:, 1]
    zs = vertices[:, 2]
    mesh = plsc.VectorSubcoreMesh(core_axis_name="c", subcore_axis_name="s")
    partials, _, _, _ = functools.partial(
        pl.kernel,
        mesh=mesh,
        out_type=(
            jax.ShapeDtypeStruct((W * NVPAD,), jnp.float32),
            jax.ShapeDtypeStruct((IDS,), jnp.float32),
            jax.ShapeDtypeStruct((IDS,), jnp.float32),
            jax.ShapeDtypeStruct((IDS,), jnp.float32),
        ),
        scratch_types=[
            pltpu.VMEM((NVPAD,), jnp.float32),
            pltpu.VMEM((CHA,), jnp.int32),
            pltpu.VMEM((CHA,), jnp.float32),
            pltpu.VMEM((CH,), jnp.int32),
            pltpu.VMEM((CH,), jnp.float32),
            pltpu.VMEM((CH,), jnp.float32),
            pltpu.VMEM((CH,), jnp.float32),
            pltpu.SemaphoreType.DMA,
        ],
        compiler_params=pltpu.CompilerParams(
            needs_layout_passes=False, use_tc_tiling_on_sc=False),
    )(_sc_body)(xs, ys, zs, idx_flat)
    dens = pl.pallas_call(
        _tc_reduce_body,
        out_shape=jax.ShapeDtypeStruct((NVPAD,), jnp.float32),
    )(partials.reshape(W, NVPAD))
    return dens[:NV]

# --- scband reference (transcript-rebuilt; emitter-appended) ---
"""Pipeline reference for scband-base-model-31061203484890 (READ-ONLY COPY).

The authoritative reference and input builder live on the scoring server;
editing this copy changes nothing except your own understanding.
"""

import jax, jax.numpy as jnp
import numpy as np

NUM_VERTICES = 100000
NUM_TETS = 3200000


def setup_inputs(seed: int = 0) -> dict:
    key = jax.random.key(seed)
    k1, k2 = jax.random.split(key)
    vertices = jax.random.normal(k1, (NUM_VERTICES, 3), dtype=jnp.float32)
    indices = jax.random.randint(k2, (NUM_TETS, 4), 0, NUM_VERTICES, dtype=jnp.int64)
    return {"vertices": vertices, "indices": indices}


def reference(vertices, indices):
    # calc_tet_density (via calc_tet_area math): gather 4 vertices per tet,
    # density = |det([v1-v0, v2-v0, v3-v0])| / 6  (tet volume)
    tets = jnp.take(vertices, indices, axis=0)  # [T, 4, 3] gather
    v0 = tets[:, 0]
    v1 = tets[:, 1]
    v2 = tets[:, 2]
    v3 = tets[:, 3]
    mat = jnp.stack([v1 - v0, v2 - v0, v3 - v0], axis=-1)  # [T, 3, 3]
    density = jnp.abs(jnp.linalg.det(mat)) / 6.0  # [T]
    # calc_vert_density: scatter_reduce amax into per-vertex buffer initialized
    # to zeros (torch scatter_reduce_ with include_self=True default)
    vertex_density = jnp.zeros((vertices.shape[0],), dtype=vertices.dtype)
    for k in range(4):
        vertex_density = vertex_density.at[indices[:, k]].max(density)
    return vertex_density

if __name__ == "__main__":
    import jax
    _d = setup_inputs()
    print(jax.jit(kernel)(*tuple(_d.values())))

</pallas_src>

<mosaic_0001>
#map = affine_map<(d0, d1) -> (0)>
module attributes {stable_mosaic.version = 14 : i64} {
  func.func @_sc_body(%arg0: i32, %arg1: i32, %arg2: memref<100000xf32, #tpu.memory_space<hbm>>, %arg3: memref<100000xf32, #tpu.memory_space<hbm>>, %arg4: memref<100000xf32, #tpu.memory_space<hbm>>, %arg5: memref<12800000xi32, #tpu.memory_space<hbm>>, %arg6: memref<3203072xf32, #tpu.memory_space<hbm>>, %arg7: memref<12800000xf32, #tpu.memory_space<hbm>>, %arg8: memref<12800000xf32, #tpu.memory_space<hbm>>, %arg9: memref<12800000xf32, #tpu.memory_space<hbm>>, %arg10: memref<100096xf32, #tpu.memory_space<vmem>>, %arg11: memref<8000xi32, #tpu.memory_space<vmem>>, %arg12: memref<8000xf32, #tpu.memory_space<vmem>>, %arg13: memref<3200xi32, #tpu.memory_space<vmem>>, %arg14: memref<3200xf32, #tpu.memory_space<vmem>>, %arg15: memref<3200xf32, #tpu.memory_space<vmem>>, %arg16: memref<3200xf32, #tpu.memory_space<vmem>>, %arg17: memref<!tpu.dma_semaphore, #tpu.memory_space<semaphore_mem>>) attributes {dimension_semantics = [#tpu.dimension_semantics<core_parallel>, #tpu.dimension_semantics<subcore_parallel>], iteration_bounds = array<i64: 2, 16>, scalar_prefetch = 0 : i64, scratch_operands = 8 : i64, tpu.core_type = #tpu.core_type<sc_vector_subcore>, window_params = [{transform_indices = #map}, {transform_indices = #map}, {transform_indices = #map}, {transform_indices = #map}, {transform_indices = #map}, {transform_indices = #map}, {transform_indices = #map}, {transform_indices = #map}]} {
    %mul3A = arith.constant 2 : i32
    %mul3A_0 = arith.muli %arg1, %mul3A : i32
    %add3A = arith.addi %mul3A_0, %arg0 : i32
    %mul3A_1 = arith.constant 400000 : i32
    %mul3A_2 = arith.muli %add3A, %mul3A_1 : i32
    %iota3A = tpu.iota {dimensions = array<i32: 0>} : vector<16xi32>
    "tpu.region"() ({
      %run_scoped3A = tpu.sem_alloc : memref<!tpu.dma_semaphore, #tpu.memory_space<semaphore_mem>>
      %dma_start3A = arith.constant 0 : i32
      %dma_start3A_34 = tpu.memref_slice %arg10[%dma_start3A] : memref<100096xf32, #tpu.memory_space<vmem>> -> memref<100000xf32, #tpu.memory_space<vmem>>
      %dma_start3A_35 = arith.constant 0 : i32
      %dma_start3A_36 = tpu.memref_slice %arg10[%dma_start3A_35] : memref<100096xf32, #tpu.memory_space<vmem>> -> memref<100000xf32, #tpu.memory_space<vmem>>
      tpu.enqueue_dma source(%arg2 : memref<100000xf32, #tpu.memory_space<hbm>>) target(%dma_start3A_36 : memref<100000xf32, #tpu.memory_space<vmem>>) target_semaphore(%run_scoped3A : memref<!tpu.dma_semaphore, #tpu.memory_space<semaphore_mem>>)
      %dma_wait3A = arith.constant 0 : i32
      %dma_wait3A_37 = tpu.memref_slice %arg10[%dma_wait3A] : memref<100096xf32, #tpu.memory_space<vmem>> -> memref<100000xf32, #tpu.memory_space<vmem>>
      %dma_wait3A_38 = arith.constant 0 : i32
      %dma_wait3A_39 = tpu.memref_slice %arg10[%dma_wait3A_38] : memref<100096xf32, #tpu.memory_space<vmem>> -> memref<100000xf32, #tpu.memory_space<vmem>>
      tpu.wait_dma2 semaphore(%run_scoped3A : memref<!tpu.dma_semaphore, #tpu.memory_space<semaphore_mem>>) src(%arg2 : memref<100000xf32, #tpu.memory_space<hbm>>) dst(%dma_wait3A_39 : memref<100000xf32, #tpu.memory_space<vmem>>)
      tpu.yield
    }) : () -> ()
    %scan3A = arith.constant 0 : i32
    %scan3A_3 = arith.constant 0 : i32
    %scan3A_4 = arith.constant 50 : i32
    %scan3A_5 = arith.addi %scan3A_3, %scan3A_4 : i32
    %scan3A_6 = arith.constant 1 : i32
    scf.for %scan3A_34 = %scan3A_3 to %scan3A_5 step %scan3A_6  : i32 {
      %mul3A_35 = arith.constant 8000 : i32
      %mul3A_36 = arith.muli %scan3A_34, %mul3A_35 : i32
      %add3A_37 = arith.addi %mul3A_2, %mul3A_36 : i32
      "tpu.region"() ({
        %run_scoped3A = tpu.sem_alloc : memref<!tpu.dma_semaphore, #tpu.memory_space<semaphore_mem>>
        %dma_start3A = tpu.memref_slice %arg5[%add3A_37] : memref<12800000xi32, #tpu.memory_space<hbm>> -> memref<8000xi32, #tpu.memory_space<hbm>>
        %dma_start3A_44 = tpu.memref_slice %arg5[%add3A_37] : memref<12800000xi32, #tpu.memory_space<hbm>> -> memref<8000xi32, #tpu.memory_space<hbm>>
        tpu.enqueue_dma source(%dma_start3A_44 : memref<8000xi32, #tpu.memory_space<hbm>>) target(%arg11 : memref<8000xi32, #tpu.memory_space<vmem>>) target_semaphore(%run_scoped3A : memref<!tpu.dma_semaphore, #tpu.memory_space<semaphore_mem>>)
        %dma_wait3A = tpu.memref_slice %arg5[%add3A_37] : memref<12800000xi32, #tpu.memory_space<hbm>> -> memref<8000xi32, #tpu.memory_space<hbm>>
        %dma_wait3A_45 = tpu.memref_slice %arg5[%add3A_37] : memref<12800000xi32, #tpu.memory_space<hbm>> -> memref<8000xi32, #tpu.memory_space<hbm>>
        tpu.wait_dma2 semaphore(%run_scoped3A : memref<!tpu.dma_semaphore, #tpu.memory_space<semaphore_mem>>) src(%dma_wait3A_45 : memref<8000xi32, #tpu.memory_space<hbm>>) dst(%arg11 : memref<8000xi32, #tpu.memory_space<vmem>>)
        tpu.yield
      }) : () -> ()
      %scan3A_38 = arith.constant 0 : i32
      %scan3A_39 = arith.constant 0 : i32
      %scan3A_40 = arith.constant 125 : i32
      %scan3A_41 = arith.addi %scan3A_39, %scan3A_40 : i32
      %scan3A_42 = arith.constant 1 : i32
      scf.for %scan3A_44 = %scan3A_39 to %scan3A_41 step %scan3A_42  : i32 {
        %mul3A_45 = arith.constant 64 : i32
        %mul3A_46 = arith.muli %scan3A_44, %mul3A_45 : i32
        %add3A_47 = arith.constant 0 : i32
        %add3A_48 = arith.addi %mul3A_46, %add3A_47 : i32
        %get3A = arith.index_cast %add3A_48 : i32 to index
        %get3A_49 = tpu.vector_load %arg11[%get3A] {strides = array<i32>} : memref<8000xi32, #tpu.memory_space<vmem>>, vector<16xi32>,
        %gather3A = tpu.vector_load_idx %arg10[%get3A_49] : memref<100096xf32, #tpu.memory_space<vmem>>[vector<16xi32>], vector<16xf32>,
        %mul3A_50 = arith.constant 64 : i32
        %mul3A_51 = arith.muli %scan3A_44, %mul3A_50 : i32
        %add3A_52 = arith.constant 0 : i32
        %add3A_53 = arith.addi %mul3A_51, %add3A_52 : i32
        %swap3A = arith.index_cast %add3A_53 : i32 to index
        %swap3A_54 = tpu.vector_load %arg12[%swap3A] {strides = array<i32>} : memref<8000xf32, #tpu.memory_space<vmem>>, vector<16xf32>,
        tpu.vector_store %arg12[%swap3A], %gather3A {strides = array<i32>} : memref<8000xf32, #tpu.memory_space<vmem>>, vector<16xf32>,
        %mul3A_55 = arith.constant 64 : i32
        %mul3A_56 = arith.muli %scan3A_44, %mul3A_55 : i32
        %add3A_57 = arith.constant 16 : i32
        %add3A_58 = arith.addi %mul3A_56, %add3A_57 : i32
        %get3A_59 = arith.index_cast %add3A_58 : i32 to index
        %get3A_60 = tpu.vector_load %arg11[%get3A_59] {strides = array<i32>} : memref<8000xi32, #tpu.memory_space<vmem>>, vector<16xi32>,
        %gather3A_61 = tpu.vector_load_idx %arg10[%get3A_60] : memref<100096xf32, #tpu.memory_space<vmem>>[vector<16xi32>], vector<16xf32>,
        %mul3A_62 = arith.constant 64 : i32
        %mul3A_63 = arith.muli %scan3A_44, %mul3A_62 : i32
        %add3A_64 = arith.constant 16 : i32
        %add3A_65 = arith.addi %mul3A_63, %add3A_64 : i32
        %swap3A_66 = arith.index_cast %add3A_65 : i32 to index
        %swap3A_67 = tpu.vector_load %arg12[%swap3A_66] {strides = array<i32>} : memref<8000xf32, #tpu.memory_space<vmem>>, vector<16xf32>,
        tpu.vector_store %arg12[%swap3A_66], %gather3A_61 {strides = array<i32>} : memref<8000xf32, #tpu.memory_space<vmem>>, vector<16xf32>,
        %mul3A_68 = arith.constant 64 : i32
        %mul3A_69 = arith.muli %scan3A_44, %mul3A_68 : i32
        %add3A_70 = arith.constant 32 : i32
        %add3A_71 = arith.addi %mul3A_69, %add3A_70 : i32
        %get3A_72 = arith.index_cast %add3A_71 : i32 to index
        %get3A_73 = tpu.vector_load %arg11[%get3A_72] {strides = array<i32>} : memref<8000xi32, #tpu.memory_space<vmem>>, vector<16xi32>,
        %gather3A_74 = tpu.vector_load_idx %arg10[%get3A_73] : memref<100096xf32, #tpu.memory_space<vmem>>[vector<16xi32>], vector<16xf32>,
        %mul3A_75 = arith.constant 64 : i32
        %mul3A_76 = arith.muli %scan3A_44, %mul3A_75 : i32
        %add3A_77 = arith.constant 32 : i32
        %add3A_78 = arith.addi %mul3A_76, %add3A_77 : i32
        %swap3A_79 = arith.index_cast %add3A_78 : i32 to index
        %swap3A_80 = tpu.vector_load %arg12[%swap3A_79] {strides = array<i32>} : memref<8000xf32, #tpu.memory_space<vmem>>, vector<16xf32>,
        tpu.vector_store %arg12[%swap3A_79], %gather3A_74 {strides = array<i32>} : memref<8000xf32, #tpu.memory_space<vmem>>, vector<16xf32>,
        %mul3A_81 = arith.constant 64 : i32
        %mul3A_82 = arith.muli %scan3A_44, %mul3A_81 : i32
        %add3A_83 = arith.constant 48 : i32
        %add3A_84 = arith.addi %mul3A_82, %add3A_83 : i32
        %get3A_85 = arith.index_cast %add3A_84 : i32 to index
        %get3A_86 = tpu.vector_load %arg11[%get3A_85] {strides = array<i32>} : memref<8000xi32, #tpu.memory_space<vmem>>, vector<16xi32>,
        %gather3A_87 = tpu.vector_load_idx %arg10[%get3A_86] : memref<100096xf32, #tpu.memory_space<vmem>>[vector<16xi32>], vector<16xf32>,
        %mul3A_88 = arith.constant 64 : i32
        %mul3A_89 = arith.muli %scan3A_44, %mul3A_88 : i32
        %add3A_90 = arith.constant 48 : i32
        %add3A_91 = arith.addi %mul3A_89, %add3A_90 : i32
        %swap3A_92 = arith.index_cast %add3A_91 : i32 to index
        %swap3A_93 = tpu.vector_load %arg12[%swap3A_92] {strides = array<i32>} : memref<8000xf32, #tpu.memory_space<vmem>>, vector<16xf32>,
        tpu.vector_store %arg12[%swap3A_92], %gather3A_87 {strides = array<i32>} : memref<8000xf32, #tpu.memory_space<vmem>>, vector<16xf32>,
      }
      %scan3A_43 = arith.constant 125 : i32
      "tpu.region"() ({
        %run_scoped3A = tpu.sem_alloc : memref<!tpu.dma_semaphore, #tpu.memory_space<semaphore_mem>>
        %dma_start3A = tpu.memref_slice %arg7[%add3A_37] : memref<12800000xf32, #tpu.memory_space<hbm>> -> memref<8000xf32, #tpu.memory_space<hbm>>
        %dma_start3A_44 = tpu.memref_slice %arg7[%add3A_37] : memref<12800000xf32, #tpu.memory_space<hbm>> -> memref<8000xf32, #tpu.memory_space<hbm>>
        tpu.enqueue_dma source(%arg12 : memref<8000xf32, #tpu.memory_space<vmem>>) target(%dma_start3A_44 : memref<8000xf32, #tpu.memory_space<hbm>>) target_semaphore(%run_scoped3A : memref<!tpu.dma_semaphore, #tpu.memory_space<semaphore_mem>>)
        %dma_wait3A = tpu.memref_slice %arg7[%add3A_37] : memref<12800000xf32, #tpu.memory_space<hbm>> -> memref<8000xf32, #tpu.memory_space<hbm>>
        %dma_wait3A_45 = tpu.memref_slice %arg7[%add3A_37] : memref<12800000xf32, #tpu.memory_space<hbm>> -> memref<8000xf32, #tpu.memory_space<hbm>>
        tpu.wait_dma2 semaphore(%run_scoped3A : memref<!tpu.dma_semaphore, #tpu.memory_space<semaphore_mem>>) src(%arg12 : memref<8000xf32, #tpu.memory_space<vmem>>) dst(%dma_wait3A_45 : memref<8000xf32, #tpu.memory_space<hbm>>)
        tpu.yield
      }) : () -> ()
    }
    %scan3A_7 = arith.constant 50 : i32
    "tpu.region"() ({
      %run_scoped3A = tpu.sem_alloc : memref<!tpu.dma_semaphore, #tpu.memory_space<semaphore_mem>>
      %dma_start3A = arith.constant 0 : i32
      %dma_start3A_34 = tpu.memref_slice %arg10[%dma_start3A] : memref<100096xf32, #tpu.memory_space<vmem>> -> memref<100000xf32, #tpu.memory_space<vmem>>
      %dma_start3A_35 = arith.constant 0 : i32
      %dma_start3A_36 = tpu.memref_slice %arg10[%dma_start3A_35] : memref<100096xf32, #tpu.memory_space<vmem>> -> memref<100000xf32, #tpu.memory_space<vmem>>
      tpu.enqueue_dma source(%arg3 : memref<100000xf32, #tpu.memory_space<hbm>>) target(%dma_start3A_36 : memref<100000xf32, #tpu.memory_space<vmem>>) target_semaphore(%run_scoped3A : memref<!tpu.dma_semaphore, #tpu.memory_space<semaphore_mem>>)
      %dma_wait3A = arith.constant 0 : i32
      %dma_wait3A_37 = tpu.memref_slice %arg10[%dma_wait3A] : memref<100096xf32, #tpu.memory_space<vmem>> -> memref<100000xf32, #tpu.memory_space<vmem>>
      %dma_wait3A_38 = arith.constant 0 : i32
      %dma_wait3A_39 = tpu.memref_slice %arg10[%dma_wait3A_38] : memref<100096xf32, #tpu.memory_space<vmem>> -> memref<100000xf32, #tpu.memory_space<vmem>>
      tpu.wait_dma2 semaphore(%run_scoped3A : memref<!tpu.dma_semaphore, #tpu.memory_space<semaphore_mem>>) src(%arg3 : memref<100000xf32, #tpu.memory_space<hbm>>) dst(%dma_wait3A_39 : memref<100000xf32, #tpu.memory_space<vmem>>)
      tpu.yield
    }) : () -> ()
    %scan3A_8 = arith.constant 0 : i32
    %scan3A_9 = arith.constant 0 : i32
    %scan3A_10 = arith.constant 50 : i32
    %scan3A_11 = arith.addi %scan3A_9, %scan3A_10 : i32
    %scan3A_12 = arith.constant 1 : i32
    scf.for %scan3A_34 = %scan3A_9 to %scan3A_11 step %scan3A_12  : i32 {
      %mul3A_35 = arith.constant 8000 : i32
      %mul3A_36 = arith.muli %scan3A_34, %mul3A_35 : i32
      %add3A_37 = arith.addi %mul3A_2, %mul3A_36 : i32
      "tpu.region"() ({
        %run_scoped3A = tpu.sem_alloc : memref<!tpu.dma_semaphore, #tpu.memory_space<semaphore_mem>>
        %dma_start3A = tpu.memref_slice %arg5[%add3A_37] : memref<12800000xi32, #tpu.memory_space<hbm>> -> memref<8000xi32, #tpu.memory_space<hbm>>
        %dma_start3A_44 = tpu.memref_slice %arg5[%add3A_37] : memref<12800000xi32, #tpu.memory_space<hbm>> -> memref<8000xi32, #tpu.memory_space<hbm>>
        tpu.enqueue_dma source(%dma_start3A_44 : memref<8000xi32, #tpu.memory_space<hbm>>) target(%arg11 : memref<8000xi32, #tpu.memory_space<vmem>>) target_semaphore(%run_scoped3A : memref<!tpu.dma_semaphore, #tpu.memory_space<semaphore_mem>>)
        %dma_wait3A = tpu.memref_slice %arg5[%add3A_37] : memref<12800000xi32, #tpu.memory_space<hbm>> -> memref<8000xi32, #tpu.memory_space<hbm>>
        %dma_wait3A_45 = tpu.memref_slice %arg5[%add3A_37] : memref<12800000xi32, #tpu.memory_space<hbm>> -> memref<8000xi32, #tpu.memory_space<hbm>>
        tpu.wait_dma2 semaphore(%run_scoped3A : memref<!tpu.dma_semaphore, #tpu.memory_space<semaphore_mem>>) src(%dma_wait3A_45 : memref<8000xi32, #tpu.memory_space<hbm>>) dst(%arg11 : memref<8000xi32, #tpu.memory_space<vmem>>)
        tpu.yield
      }) : () -> ()
      %scan3A_38 = arith.constant 0 : i32
      %scan3A_39 = arith.constant 0 : i32
      %scan3A_40 = arith.constant 125 : i32
      %scan3A_41 = arith.addi %scan3A_39, %scan3A_40 : i32
      %scan3A_42 = arith.constant 1 : i32
      scf.for %scan3A_44 = %scan3A_39 to %scan3A_41 step %scan3A_42  : i32 {
        %mul3A_45 = arith.constant 64 : i32
        %mul3A_46 = arith.muli %scan3A_44, %mul3A_45 : i32
        %add3A_47 = arith.constant 0 : i32
        %add3A_48 = arith.addi %mul3A_46, %add3A_47 : i32
        %get3A = arith.index_cast %add3A_48 : i32 to index
        %get3A_49 = tpu.vector_load %arg11[%get3A] {strides = array<i32>} : memref<8000xi32, #tpu.memory_space<vmem>>, vector<16xi32>,
        %gather3A = tpu.vector_load_idx %arg10[%get3A_49] : memref<100096xf32, #tpu.memory_space<vmem>>[vector<16xi32>], vector<16xf32>,
        %mul3A_50 = arith.constant 64 : i32
        %mul3A_51 = arith.muli %scan3A_44, %mul3A_50 : i32
        %add3A_52 = arith.constant 0 : i32
        %add3A_53 = arith.addi %mul3A_51, %add3A_52 : i32
        %swap3A = arith.index_cast %add3A_53 : i32 to index
        %swap3A_54 = tpu.vector_load %arg12[%swap3A] {strides = array<i32>} : memref<8000xf32, #tpu.memory_space<vmem>>, vector<16xf32>,
        tpu.vector_store %arg12[%swap3A], %gather3A {strides = array<i32>} : memref<8000xf32, #tpu.memory_space<vmem>>, vector<16xf32>,
        %mul3A_55 = arith.constant 64 : i32
        %mul3A_56 = arith.muli %scan3A_44, %mul3A_55 : i32
        %add3A_57 = arith.constant 16 : i32
        %add3A_58 = arith.addi %mul3A_56, %add3A_57 : i32
        %get3A_59 = arith.index_cast %add3A_58 : i32 to index
        %get3A_60 = tpu.vector_load %arg11[%get3A_59] {strides = array<i32>} : memref<8000xi32, #tpu.memory_space<vmem>>, vector<16xi32>,
        %gather3A_61 = tpu.vector_load_idx %arg10[%get3A_60] : memref<100096xf32, #tpu.memory_space<vmem>>[vector<16xi32>], vector<16xf32>,
        %mul3A_62 = arith.constant 64 : i32
        %mul3A_63 = arith.muli %scan3A_44, %mul3A_62 : i32
        %add3A_64 = arith.constant 16 : i32
        %add3A_65 = arith.addi %mul3A_63, %add3A_64 : i32
        %swap3A_66 = arith.index_cast %add3A_65 : i32 to index
        %swap3A_67 = tpu.vector_load %arg12[%swap3A_66] {strides = array<i32>} : memref<8000xf32, #tpu.memory_space<vmem>>, vector<16xf32>,
        tpu.vector_store %arg12[%swap3A_66], %gather3A_61 {strides = array<i32>} : memref<8000xf32, #tpu.memory_space<vmem>>, vector<16xf32>,
        %mul3A_68 = arith.constant 64 : i32
        %mul3A_69 = arith.muli %scan3A_44, %mul3A_68 : i32
        %add3A_70 = arith.constant 32 : i32
        %add3A_71 = arith.addi %mul3A_69, %add3A_70 : i32
        %get3A_72 = arith.index_cast %add3A_71 : i32 to index
        %get3A_73 = tpu.vector_load %arg11[%get3A_72] {strides = array<i32>} : memref<8000xi32, #tpu.memory_space<vmem>>, vector<16xi32>,
        %gather3A_74 = tpu.vector_load_idx %arg10[%get3A_73] : memref<100096xf32, #tpu.memory_space<vmem>>[vector<16xi32>], vector<16xf32>,
        %mul3A_75 = arith.constant 64 : i32
        %mul3A_76 = arith.muli %scan3A_44, %mul3A_75 : i32
        %add3A_77 = arith.constant 32 : i32
        %add3A_78 = arith.addi %mul3A_76, %add3A_77 : i32
        %swap3A_79 = arith.index_cast %add3A_78 : i32 to index
        %swap3A_80 = tpu.vector_load %arg12[%swap3A_79] {strides = array<i32>} : memref<8000xf32, #tpu.memory_space<vmem>>, vector<16xf32>,
        tpu.vector_store %arg12[%swap3A_79], %gather3A_74 {strides = array<i32>} : memref<8000xf32, #tpu.memory_space<vmem>>, vector<16xf32>,
        %mul3A_81 = arith.constant 64 : i32
        %mul3A_82 = arith.muli %scan3A_44, %mul3A_81 : i32
        %add3A_83 = arith.constant 48 : i32
        %add3A_84 = arith.addi %mul3A_82, %add3A_83 : i32
        %get3A_85 = arith.index_cast %add3A_84 : i32 to index
        %get3A_86 = tpu.vector_load %arg11[%get3A_85] {strides = array<i32>} : memref<8000xi32, #tpu.memory_space<vmem>>, vector<16xi32>,
        %gather3A_87 = tpu.vector_load_idx %arg10[%get3A_86] : memref<100096xf32, #tpu.memory_space<vmem>>[vector<16xi32>], vector<16xf32>,
        %mul3A_88 = arith.constant 64 : i32
        %mul3A_89 = arith.muli %scan3A_44, %mul3A_88 : i32
        %add3A_90 = arith.constant 48 : i32
        %add3A_91 = arith.addi %mul3A_89, %add3A_90 : i32
        %swap3A_92 = arith.index_cast %add3A_91 : i32 to index
        %swap3A_93 = tpu.vector_load %arg12[%swap3A_92] {strides = array<i32>} : memref<8000xf32, #tpu.memory_space<vmem>>, vector<16xf32>,
        tpu.vector_store %arg12[%swap3A_92], %gather3A_87 {strides = array<i32>} : memref<8000xf32, #tpu.memory_space<vmem>>, vector<16xf32>,
      }
      %scan3A_43 = arith.constant 125 : i32
      "tpu.region"() ({
        %run_scoped3A = tpu.sem_alloc : memref<!tpu.dma_semaphore, #tpu.memory_space<semaphore_mem>>
        %dma_start3A = tpu.memref_slice %arg8[%add3A_37] : memref<12800000xf32, #tpu.memory_space<hbm>> -> memref<8000xf32, #tpu.memory_space<hbm>>
        %dma_start3A_44 = tpu.memref_slice %arg8[%add3A_37] : memref<12800000xf32, #tpu.memory_space<hbm>> -> memref<8000xf32, #tpu.memory_space<hbm>>
        tpu.enqueue_dma source(%arg12 : memref<8000xf32, #tpu.memory_space<vmem>>) target(%dma_start3A_44 : memref<8000xf32, #tpu.memory_space<hbm>>) target_semaphore(%run_scoped3A : memref<!tpu.dma_semaphore, #tpu.memory_space<semaphore_mem>>)
        %dma_wait3A = tpu.memref_slice %arg8[%add3A_37] : memref<12800000xf32, #tpu.memory_space<hbm>> -> memref<8000xf32, #tpu.memory_space<hbm>>
        %dma_wait3A_45 = tpu.memref_slice %arg8[%add3A_37] : memref<12800000xf32, #tpu.memory_space<hbm>> -> memref<8000xf32, #tpu.memory_space<hbm>>
        tpu.wait_dma2 semaphore(%run_scoped3A : memref<!tpu.dma_semaphore, #tpu.memory_space<semaphore_mem>>) src(%arg12 : memref<8000xf32, #tpu.memory_space<vmem>>) dst(%dma_wait3A_45 : memref<8000xf32, #tpu.memory_space<hbm>>)
        tpu.yield
      }) : () -> ()
    }
    %scan3A_13 = arith.constant 50 : i32
    "tpu.region"() ({
      %run_scoped3A = tpu.sem_alloc : memref<!tpu.dma_semaphore, #tpu.memory_space<semaphore_mem>>
      %dma_start3A = arith.constant 0 : i32
      %dma_start3A_34 = tpu.memref_slice %arg10[%dma_start3A] : memref<100096xf32, #tpu.memory_space<vmem>> -> memref<100000xf32, #tpu.memory_space<vmem>>
      %dma_start3A_35 = arith.constant 0 : i32
      %dma_start3A_36 = tpu.memref_slice %arg10[%dma_start3A_35] : memref<100096xf32, #tpu.memory_space<vmem>> -> memref<100000xf32, #tpu.memory_space<vmem>>
      tpu.enqueue_dma source(%arg4 : memref<100000xf32, #tpu.memory_space<hbm>>) target(%dma_start3A_36 : memref<100000xf32, #tpu.memory_space<vmem>>) target_semaphore(%run_scoped3A : memref<!tpu.dma_semaphore, #tpu.memory_space<semaphore_mem>>)
      %dma_wait3A = arith.constant 0 : i32
      %dma_wait3A_37 = tpu.memref_slice %arg10[%dma_wait3A] : memref<100096xf32, #tpu.memory_space<vmem>> -> memref<100000xf32, #tpu.memory_space<vmem>>
      %dma_wait3A_38 = arith.constant 0 : i32
      %dma_wait3A_39 = tpu.memref_slice %arg10[%dma_wait3A_38] : memref<100096xf32, #tpu.memory_space<vmem>> -> memref<100000xf32, #tpu.memory_space<vmem>>
      tpu.wait_dma2 semaphore(%run_scoped3A : memref<!tpu.dma_semaphore, #tpu.memory_space<semaphore_mem>>) src(%arg4 : memref<100000xf32, #tpu.memory_space<hbm>>) dst(%dma_wait3A_39 : memref<100000xf32, #tpu.memory_space<vmem>>)
      tpu.yield
    }) : () -> ()
    %scan3A_14 = arith.constant 0 : i32
    %scan3A_15 = arith.constant 0 : i32
    %scan3A_16 = arith.constant 50 : i32
    %scan3A_17 = arith.addi %scan3A_15, %scan3A_16 : i32
    %scan3A_18 = arith.constant 1 : i32
    scf.for %scan3A_34 = %scan3A_15 to %scan3A_17 step %scan3A_18  : i32 {
      %mul3A_35 = arith.constant 8000 : i32
      %mul3A_36 = arith.muli %scan3A_34, %mul3A_35 : i32
      %add3A_37 = arith.addi %mul3A_2, %mul3A_36 : i32
      "tpu.region"() ({
        %run_scoped3A = tpu.sem_alloc : memref<!tpu.dma_semaphore, #tpu.memory_space<semaphore_mem>>
        %dma_start3A = tpu.memref_slice %arg5[%add3A_37] : memref<12800000xi32, #tpu.memory_space<hbm>> -> memref<8000xi32, #tpu.memory_space<hbm>>
        %dma_start3A_44 = tpu.memref_slice %arg5[%add3A_37] : memref<12800000xi32, #tpu.memory_space<hbm>> -> memref<8000xi32, #tpu.memory_space<hbm>>
        tpu.enqueue_dma source(%dma_start3A_44 : memref<8000xi32, #tpu.memory_space<hbm>>) target(%arg11 : memref<8000xi32, #tpu.memory_space<vmem>>) target_semaphore(%run_scoped3A : memref<!tpu.dma_semaphore, #tpu.memory_space<semaphore_mem>>)
        %dma_wait3A = tpu.memref_slice %arg5[%add3A_37] : memref<12800000xi32, #tpu.memory_space<hbm>> -> memref<8000xi32, #tpu.memory_space<hbm>>
        %dma_wait3A_45 = tpu.memref_slice %arg5[%add3A_37] : memref<12800000xi32, #tpu.memory_space<hbm>> -> memref<8000xi32, #tpu.memory_space<hbm>>
        tpu.wait_dma2 semaphore(%run_scoped3A : memref<!tpu.dma_semaphore, #tpu.memory_space<semaphore_mem>>) src(%dma_wait3A_45 : memref<8000xi32, #tpu.memory_space<hbm>>) dst(%arg11 : memref<8000xi32, #tpu.memory_space<vmem>>)
        tpu.yield
      }) : () -> ()
      %scan3A_38 = arith.constant 0 : i32
      %scan3A_39 = arith.constant 0 : i32
      %scan3A_40 = arith.constant 125 : i32
      %scan3A_41 = arith.addi %scan3A_39, %scan3A_40 : i32
      %scan3A_42 = arith.constant 1 : i32
      scf.for %scan3A_44 = %scan3A_39 to %scan3A_41 step %scan3A_42  : i32 {
        %mul3A_45 = arith.constant 64 : i32
        %mul3A_46 = arith.muli %scan3A_44, %mul3A_45 : i32
        %add3A_47 = arith.constant 0 : i32
        %add3A_48 = arith.addi %mul3A_46, %add3A_47 : i32
        %get3A = arith.index_cast %add3A_48 : i32 to index
        %get3A_49 = tpu.vector_load %arg11[%get3A] {strides = array<i32>} : memref<8000xi32, #tpu.memory_space<vmem>>, vector<16xi32>,
        %gather3A = tpu.vector_load_idx %arg10[%get3A_49] : memref<100096xf32, #tpu.memory_space<vmem>>[vector<16xi32>], vector<16xf32>,
        %mul3A_50 = arith.constant 64 : i32
        %mul3A_51 = arith.muli %scan3A_44, %mul3A_50 : i32
        %add3A_52 = arith.constant 0 : i32
        %add3A_53 = arith.addi %mul3A_51, %add3A_52 : i32
        %swap3A = arith.index_cast %add3A_53 : i32 to index
        %swap3A_54 = tpu.vector_load %arg12[%swap3A] {strides = array<i32>} : memref<8000xf32, #tpu.memory_space<vmem>>, vector<16xf32>,
        tpu.vector_store %arg12[%swap3A], %gather3A {strides = array<i32>} : memref<8000xf32, #tpu.memory_space<vmem>>, vector<16xf32>,
        %mul3A_55 = arith.constant 64 : i32
        %mul3A_56 = arith.muli %scan3A_44, %mul3A_55 : i32
        %add3A_57 = arith.constant 16 : i32
        %add3A_58 = arith.addi %mul3A_56, %add3A_57 : i32
        %get3A_59 = arith.index_cast %add3A_58 : i32 to index
        %get3A_60 = tpu.vector_load %arg11[%get3A_59] {strides = array<i32>} : memref<8000xi32, #tpu.memory_space<vmem>>, vector<16xi32>,
        %gather3A_61 = tpu.vector_load_idx %arg10[%get3A_60] : memref<100096xf32, #tpu.memory_space<vmem>>[vector<16xi32>], vector<16xf32>,
        %mul3A_62 = arith.constant 64 : i32
        %mul3A_63 = arith.muli %scan3A_44, %mul3A_62 : i32
        %add3A_64 = arith.constant 16 : i32
        %add3A_65 = arith.addi %mul3A_63, %add3A_64 : i32
        %swap3A_66 = arith.index_cast %add3A_65 : i32 to index
        %swap3A_67 = tpu.vector_load %arg12[%swap3A_66] {strides = array<i32>} : memref<8000xf32, #tpu.memory_space<vmem>>, vector<16xf32>,
        tpu.vector_store %arg12[%swap3A_66], %gather3A_61 {strides = array<i32>} : memref<8000xf32, #tpu.memory_space<vmem>>, vector<16xf32>,
        %mul3A_68 = arith.constant 64 : i32
        %mul3A_69 = arith.muli %scan3A_44, %mul3A_68 : i32
        %add3A_70 = arith.constant 32 : i32
        %add3A_71 = arith.addi %mul3A_69, %add3A_70 : i32
        %get3A_72 = arith.index_cast %add3A_71 : i32 to index
        %get3A_73 = tpu.vector_load %arg11[%get3A_72] {strides = array<i32>} : memref<8000xi32, #tpu.memory_space<vmem>>, vector<16xi32>,
        %gather3A_74 = tpu.vector_load_idx %arg10[%get3A_73] : memref<100096xf32, #tpu.memory_space<vmem>>[vector<16xi32>], vector<16xf32>,
        %mul3A_75 = arith.constant 64 : i32
        %mul3A_76 = arith.muli %scan3A_44, %mul3A_75 : i32
        %add3A_77 = arith.constant 32 : i32
        %add3A_78 = arith.addi %mul3A_76, %add3A_77 : i32
        %swap3A_79 = arith.index_cast %add3A_78 : i32 to index
        %swap3A_80 = tpu.vector_load %arg12[%swap3A_79] {strides = array<i32>} : memref<8000xf32, #tpu.memory_space<vmem>>, vector<16xf32>,
        tpu.vector_store %arg12[%swap3A_79], %gather3A_74 {strides = array<i32>} : memref<8000xf32, #tpu.memory_space<vmem>>, vector<16xf32>,
        %mul3A_81 = arith.constant 64 : i32
        %mul3A_82 = arith.muli %scan3A_44, %mul3A_81 : i32
        %add3A_83 = arith.constant 48 : i32
        %add3A_84 = arith.addi %mul3A_82, %add3A_83 : i32
        %get3A_85 = arith.index_cast %add3A_84 : i32 to index
        %get3A_86 = tpu.vector_load %arg11[%get3A_85] {strides = array<i32>} : memref<8000xi32, #tpu.memory_space<vmem>>, vector<16xi32>,
        %gather3A_87 = tpu.vector_load_idx %arg10[%get3A_86] : memref<100096xf32, #tpu.memory_space<vmem>>[vector<16xi32>], vector<16xf32>,
        %mul3A_88 = arith.constant 64 : i32
        %mul3A_89 = arith.muli %scan3A_44, %mul3A_88 : i32
        %add3A_90 = arith.constant 48 : i32
        %add3A_91 = arith.addi %mul3A_89, %add3A_90 : i32
        %swap3A_92 = arith.index_cast %add3A_91 : i32 to index
        %swap3A_93 = tpu.vector_load %arg12[%swap3A_92] {strides = array<i32>} : memref<8000xf32, #tpu.memory_space<vmem>>, vector<16xf32>,
        tpu.vector_store %arg12[%swap3A_92], %gather3A_87 {strides = array<i32>} : memref<8000xf32, #tpu.memory_space<vmem>>, vector<16xf32>,
      }
      %scan3A_43 = arith.constant 125 : i32
      "tpu.region"() ({
        %run_scoped3A = tpu.sem_alloc : memref<!tpu.dma_semaphore, #tpu.memory_space<semaphore_mem>>
        %dma_start3A = tpu.memref_slice %arg9[%add3A_37] : memref<12800000xf32, #tpu.memory_space<hbm>> -> memref<8000xf32, #tpu.memory_space<hbm>>
        %dma_start3A_44 = tpu.memref_slice %arg9[%add3A_37] : memref<12800000xf32, #tpu.memory_space<hbm>> -> memref<8000xf32, #tpu.memory_space<hbm>>
        tpu.enqueue_dma source(%arg12 : memref<8000xf32, #tpu.memory_space<vmem>>) target(%dma_start3A_44 : memref<8000xf32, #tpu.memory_space<hbm>>) target_semaphore(%run_scoped3A : memref<!tpu.dma_semaphore, #tpu.memory_space<semaphore_mem>>)
        %dma_wait3A = tpu.memref_slice %arg9[%add3A_37] : memref<12800000xf32, #tpu.memory_space<hbm>> -> memref<8000xf32, #tpu.memory_space<hbm>>
        %dma_wait3A_45 = tpu.memref_slice %arg9[%add3A_37] : memref<12800000xf32, #tpu.memory_space<hbm>> -> memref<8000xf32, #tpu.memory_space<hbm>>
        tpu.wait_dma2 semaphore(%run_scoped3A : memref<!tpu.dma_semaphore, #tpu.memory_space<semaphore_mem>>) src(%arg12 : memref<8000xf32, #tpu.memory_space<vmem>>) dst(%dma_wait3A_45 : memref<8000xf32, #tpu.memory_space<hbm>>)
        tpu.yield
      }) : () -> ()
    }
    %scan3A_19 = arith.constant 50 : i32
    %scan3A_20 = arith.constant 0 : i32
    %scan3A_21 = arith.constant 0 : i32
    %scan3A_22 = arith.constant 6256 : i32
    %scan3A_23 = arith.addi %scan3A_21, %scan3A_22 : i32
    %scan3A_24 = arith.constant 1 : i32
    scf.for %scan3A_34 = %scan3A_21 to %scan3A_23 step %scan3A_24  : i32 {
      %broadcast_in_dim3A = arith.constant 0.000000e+00 : f32
      %broadcast_in_dim3A_35 = vector.broadcast %broadcast_in_dim3A : f32 to vector<16xf32>
      %mul3A_36 = arith.constant 16 : i32
      %mul3A_37 = arith.muli %scan3A_34, %mul3A_36 : i32
      %swap3A = arith.index_cast %mul3A_37 : i32 to index
      %swap3A_38 = tpu.vector_load %arg10[%swap3A] {strides = array<i32>} : memref<100096xf32, #tpu.memory_space<vmem>>, vector<16xf32>,
      tpu.vector_store %arg10[%swap3A], %broadcast_in_dim3A_35 {strides = array<i32>} : memref<100096xf32, #tpu.memory_space<vmem>>, vector<16xf32>,
    }
    %scan3A_25 = arith.constant 6256 : i32
    %scan3A_26 = arith.constant 0 : i32
    %scan3A_27 = arith.constant 0 : i32
    %scan3A_28 = arith.constant 125 : i32
    %scan3A_29 = arith.addi %scan3A_27, %scan3A_28 : i32
    %scan3A_30 = arith.constant 1 : i32
    scf.for %scan3A_34 = %scan3A_27 to %scan3A_29 step %scan3A_30  : i32 {
      %mul3A_35 = arith.constant 3200 : i32
      %mul3A_36 = arith.muli %scan3A_34, %mul3A_35 : i32
      %add3A_37 = arith.addi %mul3A_2, %mul3A_36 : i32
      %dma_start3A = tpu.memref_slice %arg5[%add3A_37] : memref<12800000xi32, #tpu.memory_space<hbm>> -> memref<3200xi32, #tpu.memory_space<hbm>>
      %dma_start3A_38 = tpu.memref_slice %arg5[%add3A_37] : memref<12800000xi32, #tpu.memory_space<hbm>> -> memref<3200xi32, #tpu.memory_space<hbm>>
      tpu.enqueue_dma source(%dma_start3A_38 : memref<3200xi32, #tpu.memory_space<hbm>>) target(%arg13 : memref<3200xi32, #tpu.memory_space<vmem>>) target_semaphore(%arg17 : memref<!tpu.dma_semaphore, #tpu.memory_space<semaphore_mem>>)
      %dma_start3A_39 = tpu.memref_slice %arg7[%add3A_37] : memref<12800000xf32, #tpu.memory_space<hbm>> -> memref<3200xf32, #tpu.memory_space<hbm>>
      %dma_start3A_40 = tpu.memref_slice %arg7[%add3A_37] : memref<12800000xf32, #tpu.memory_space<hbm>> -> memref<3200xf32, #tpu.memory_space<hbm>>
      tpu.enqueue_dma source(%dma_start3A_40 : memref<3200xf32, #tpu.memory_space<hbm>>) target(%arg14 : memref<3200xf32, #tpu.memory_space<vmem>>) target_semaphore(%arg17 : memref<!tpu.dma_semaphore, #tpu.memory_space<semaphore_mem>>)
      %dma_start3A_41 = tpu.memref_slice %arg8[%add3A_37] : memref<12800000xf32, #tpu.memory_space<hbm>> -> memref<3200xf32, #tpu.memory_space<hbm>>
      %dma_start3A_42 = tpu.memref_slice %arg8[%add3A_37] : memref<12800000xf32, #tpu.memory_space<hbm>> -> memref<3200xf32, #tpu.memory_space<hbm>>
      tpu.enqueue_dma source(%dma_start3A_42 : memref<3200xf32, #tpu.memory_space<hbm>>) target(%arg15 : memref<3200xf32, #tpu.memory_space<vmem>>) target_semaphore(%arg17 : memref<!tpu.dma_semaphore, #tpu.memory_space<semaphore_mem>>)
      %dma_start3A_43 = tpu.memref_slice %arg9[%add3A_37] : memref<12800000xf32, #tpu.memory_space<hbm>> -> memref<3200xf32, #tpu.memory_space<hbm>>
      %dma_start3A_44 = tpu.memref_slice %arg9[%add3A_37] : memref<12800000xf32, #tpu.memory_space<hbm>> -> memref<3200xf32, #tpu.memory_space<hbm>>
      tpu.enqueue_dma source(%dma_start3A_44 : memref<3200xf32, #tpu.memory_space<hbm>>) target(%arg16 : memref<3200xf32, #tpu.memory_space<vmem>>) target_semaphore(%arg17 : memref<!tpu.dma_semaphore, #tpu.memory_space<semaphore_mem>>)
      %dma_wait3A = tpu.memref_slice %arg5[%add3A_37] : memref<12800000xi32, #tpu.memory_space<hbm>> -> memref<3200xi32, #tpu.memory_space<hbm>>
      %dma_wait3A_45 = tpu.memref_slice %arg5[%add3A_37] : memref<12800000xi32, #tpu.memory_space<hbm>> -> memref<3200xi32, #tpu.memory_space<hbm>>
      tpu.wait_dma2 semaphore(%arg17 : memref<!tpu.dma_semaphore, #tpu.memory_space<semaphore_mem>>) src(%dma_wait3A_45 : memref<3200xi32, #tpu.memory_space<hbm>>) dst(%arg13 : memref<3200xi32, #tpu.memory_space<vmem>>)
      %dma_wait3A_46 = tpu.memref_slice %arg7[%add3A_37] : memref<12800000xf32, #tpu.memory_space<hbm>> -> memref<3200xf32, #tpu.memory_space<hbm>>
      %dma_wait3A_47 = tpu.memref_slice %arg7[%add3A_37] : memref<12800000xf32, #tpu.memory_space<hbm>> -> memref<3200xf32, #tpu.memory_space<hbm>>
      tpu.wait_dma2 semaphore(%arg17 : memref<!tpu.dma_semaphore, #tpu.memory_space<semaphore_mem>>) src(%dma_wait3A_47 : memref<3200xf32, #tpu.memory_space<hbm>>) dst(%arg14 : memref<3200xf32, #tpu.memory_space<vmem>>)
      %dma_wait3A_48 = tpu.memref_slice %arg8[%add3A_37] : memref<12800000xf32, #tpu.memory_space<hbm>> -> memref<3200xf32, #tpu.memory_space<hbm>>
      %dma_wait3A_49 = tpu.memref_slice %arg8[%add3A_37] : memref<12800000xf32, #tpu.memory_space<hbm>> -> memref<3200xf32, #tpu.memory_space<hbm>>
      tpu.wait_dma2 semaphore(%arg17 : memref<!tpu.dma_semaphore, #tpu.memory_space<semaphore_mem>>) src(%dma_wait3A_49 : memref<3200xf32, #tpu.memory_space<hbm>>) dst(%arg15 : memref<3200xf32, #tpu.memory_space<vmem>>)
      %dma_wait3A_50 = tpu.memref_slice %arg9[%add3A_37] : memref<12800000xf32, #tpu.memory_space<hbm>> -> memref<3200xf32, #tpu.memory_space<hbm>>
      %dma_wait3A_51 = tpu.memref_slice %arg9[%add3A_37] : memref<12800000xf32, #tpu.memory_space<hbm>> -> memref<3200xf32, #tpu.memory_space<hbm>>
      tpu.wait_dma2 semaphore(%arg17 : memref<!tpu.dma_semaphore, #tpu.memory_space<semaphore_mem>>) src(%dma_wait3A_51 : memref<3200xf32, #tpu.memory_space<hbm>>) dst(%arg16 : memref<3200xf32, #tpu.memory_space<vmem>>)
      %scan3A_52 = arith.constant 0 : i32
      %scan3A_53 = arith.constant 0 : i32
      %scan3A_54 = arith.constant 50 : i32
      %scan3A_55 = arith.addi %scan3A_53, %scan3A_54 : i32
      %scan3A_56 = arith.constant 1 : i32
      scf.for %scan3A_58 = %scan3A_53 to %scan3A_55 step %scan3A_56  : i32 {
        %mul3A_59 = arith.constant 64 : i32
        %mul3A_60 = arith.muli %scan3A_58, %mul3A_59 : i32
        %mul3A_61 = arith.constant 4 : i32
        %mul3A_62 = vector.broadcast %mul3A_61 : i32 to vector<16xi32>
        %mul3A_63 = arith.muli %mul3A_62, %iota3A : vector<16xi32>
        %add3A_64 = vector.broadcast %mul3A_60 : i32 to vector<16xi32>
        %add3A_65 = arith.addi %add3A_64, %mul3A_63 : vector<16xi32>
        %add3A_66 = arith.constant 0 : i32
        %add3A_67 = vector.broadcast %add3A_66 : i32 to vector<16xi32>
        %add3A_68 = arith.addi %add3A_65, %add3A_67 : vector<16xi32>
        %gather3A = tpu.vector_load_idx %arg14[%add3A_68] : memref<3200xf32, #tpu.memory_space<vmem>>[vector<16xi32>], vector<16xf32>,
        %gather3A_69 = tpu.vector_load_idx %arg15[%add3A_68] : memref<3200xf32, #tpu.memory_space<vmem>>[vector<16xi32>], vector<16xf32>,
        %gather3A_70 = tpu.vector_load_idx %arg16[%add3A_68] : memref<3200xf32, #tpu.memory_space<vmem>>[vector<16xi32>], vector<16xf32>,
        %mul3A_71 = arith.constant 4 : i32
        %mul3A_72 = vector.broadcast %mul3A_71 : i32 to vector<16xi32>
        %mul3A_73 = arith.muli %mul3A_72, %iota3A : vector<16xi32>
        %add3A_74 = vector.broadcast %mul3A_60 : i32 to vector<16xi32>
        %add3A_75 = arith.addi %add3A_74, %mul3A_73 : vector<16xi32>
        %add3A_76 = arith.constant 1 : i32
        %add3A_77 = vector.broadcast %add3A_76 : i32 to vector<16xi32>
        %add3A_78 = arith.addi %add3A_75, %add3A_77 : vector<16xi32>
        %gather3A_79 = tpu.vector_load_idx %arg14[%add3A_78] : memref<3200xf32, #tpu.memory_space<vmem>>[vector<16xi32>], vector<16xf32>,
        %gather3A_80 = tpu.vector_load_idx %arg15[%add3A_78] : memref<3200xf32, #tpu.memory_space<vmem>>[vector<16xi32>], vector<16xf32>,
        %gather3A_81 = tpu.vector_load_idx %arg16[%add3A_78] : memref<3200xf32, #tpu.memory_space<vmem>>[vector<16xi32>], vector<16xf32>,
        %mul3A_82 = arith.constant 4 : i32
        %mul3A_83 = vector.broadcast %mul3A_82 : i32 to vector<16xi32>
        %mul3A_84 = arith.muli %mul3A_83, %iota3A : vector<16xi32>
        %add3A_85 = vector.broadcast %mul3A_60 : i32 to vector<16xi32>
        %add3A_86 = arith.addi %add3A_85, %mul3A_84 : vector<16xi32>
        %add3A_87 = arith.constant 2 : i32
        %add3A_88 = vector.broadcast %add3A_87 : i32 to vector<16xi32>
        %add3A_89 = arith.addi %add3A_86, %add3A_88 : vector<16xi32>
        %gather3A_90 = tpu.vector_load_idx %arg14[%add3A_89] : memref<3200xf32, #tpu.memory_space<vmem>>[vector<16xi32>], vector<16xf32>,
        %gather3A_91 = tpu.vector_load_idx %arg15[%add3A_89] : memref<3200xf32, #tpu.memory_space<vmem>>[vector<16xi32>], vector<16xf32>,
        %gather3A_92 = tpu.vector_load_idx %arg16[%add3A_89] : memref<3200xf32, #tpu.memory_space<vmem>>[vector<16xi32>], vector<16xf32>,
        %mul3A_93 = arith.constant 4 : i32
        %mul3A_94 = vector.broadcast %mul3A_93 : i32 to vector<16xi32>
        %mul3A_95 = arith.muli %mul3A_94, %iota3A : vector<16xi32>
        %add3A_96 = vector.broadcast %mul3A_60 : i32 to vector<16xi32>
        %add3A_97 = arith.addi %add3A_96, %mul3A_95 : vector<16xi32>
        %add3A_98 = arith.constant 3 : i32
        %add3A_99 = vector.broadcast %add3A_98 : i32 to vector<16xi32>
        %add3A_100 = arith.addi %add3A_97, %add3A_99 : vector<16xi32>
        %gather3A_101 = tpu.vector_load_idx %arg14[%add3A_100] : memref<3200xf32, #tpu.memory_space<vmem>>[vector<16xi32>], vector<16xf32>,
        %gather3A_102 = tpu.vector_load_idx %arg15[%add3A_100] : memref<3200xf32, #tpu.memory_space<vmem>>[vector<16xi32>], vector<16xf32>,
        %gather3A_103 = tpu.vector_load_idx %arg16[%add3A_100] : memref<3200xf32, #tpu.memory_space<vmem>>[vector<16xi32>], vector<16xf32>,
        %sub3A = arith.subf %gather3A_79, %gather3A : vector<16xf32>
        %sub3A_104 = arith.subf %gather3A_80, %gather3A_69 : vector<16xf32>
        %sub3A_105 = arith.subf %gather3A_81, %gather3A_70 : vector<16xf32>
        %sub3A_106 = arith.subf %gather3A_90, %gather3A : vector<16xf32>
        %sub3A_107 = arith.subf %gather3A_91, %gather3A_69 : vector<16xf32>
        %sub3A_108 = arith.subf %gather3A_92, %gather3A_70 : vector<16xf32>
        %sub3A_109 = arith.subf %gather3A_101, %gather3A : vector<16xf32>
        %sub3A_110 = arith.subf %gather3A_102, %gather3A_69 : vector<16xf32>
        %sub3A_111 = arith.subf %gather3A_103, %gather3A_70 : vector<16xf32>
        %mul3A_112 = arith.mulf %sub3A_107, %sub3A_111 : vector<16xf32>
        %mul3A_113 = arith.mulf %sub3A_108, %sub3A_110 : vector<16xf32>
        %sub3A_114 = arith.subf %mul3A_112, %mul3A_113 : vector<16xf32>
        %mul3A_115 = arith.mulf %sub3A, %sub3A_114 : vector<16xf32>
        %mul3A_116 = arith.mulf %sub3A_106, %sub3A_111 : vector<16xf32>
        %mul3A_117 = arith.mulf %sub3A_108, %sub3A_109 : vector<16xf32>
        %sub3A_118 = arith.subf %mul3A_116, %mul3A_117 : vector<16xf32>
        %mul3A_119 = arith.mulf %sub3A_104, %sub3A_118 : vector<16xf32>
        %sub3A_120 = arith.subf %mul3A_115, %mul3A_119 : vector<16xf32>
        %mul3A_121 = arith.mulf %sub3A_106, %sub3A_110 : vector<16xf32>
        %mul3A_122 = arith.mulf %sub3A_107, %sub3A_109 : vector<16xf32>
        %sub3A_123 = arith.subf %mul3A_121, %mul3A_122 : vector<16xf32>
        %mul3A_124 = arith.mulf %sub3A_105, %sub3A_123 : vector<16xf32>
        %add3A_125 = arith.addf %sub3A_120, %mul3A_124 : vector<16xf32>
        %abs3A = math.absf %add3A_125 : vector<16xf32>
        %mul3A_126 = arith.constant 0.166666672 : f32
        %mul3A_127 = vector.broadcast %mul3A_126 : f32 to vector<16xf32>
        %mul3A_128 = arith.mulf %abs3A, %mul3A_127 : vector<16xf32>
        %mul3A_129 = arith.constant 4 : i32
        %mul3A_130 = vector.broadcast %mul3A_129 : i32 to vector<16xi32>
        %mul3A_131 = arith.muli %mul3A_130, %iota3A : vector<16xi32>
        %add3A_132 = vector.broadcast %mul3A_60 : i32 to vector<16xi32>
        %add3A_133 = arith.addi %add3A_132, %mul3A_131 : vector<16xi32>
        %add3A_134 = arith.constant 0 : i32
        %add3A_135 = vector.broadcast %add3A_134 : i32 to vector<16xi32>
        %add3A_136 = arith.addi %add3A_133, %add3A_135 : vector<16xi32>
        %gather3A_137 = tpu.vector_load_idx %arg13[%add3A_136] : memref<3200xi32, #tpu.memory_space<vmem>>[vector<16xi32>], vector<16xi32>,
        %mul3A_138 = arith.constant 4 : i32
        %mul3A_139 = vector.broadcast %mul3A_138 : i32 to vector<16xi32>
        %mul3A_140 = arith.muli %mul3A_139, %iota3A : vector<16xi32>
        %add3A_141 = vector.broadcast %mul3A_60 : i32 to vector<16xi32>
        %add3A_142 = arith.addi %add3A_141, %mul3A_140 : vector<16xi32>
        %add3A_143 = arith.constant 1 : i32
        %add3A_144 = vector.broadcast %add3A_143 : i32 to vector<16xi32>
        %add3A_145 = arith.addi %add3A_142, %add3A_144 : vector<16xi32>
        %gather3A_146 = tpu.vector_load_idx %arg13[%add3A_145] : memref<3200xi32, #tpu.memory_space<vmem>>[vector<16xi32>], vector<16xi32>,
        %mul3A_147 = arith.constant 4 : i32
        %mul3A_148 = vector.broadcast %mul3A_147 : i32 to vector<16xi32>
        %mul3A_149 = arith.muli %mul3A_148, %iota3A : vector<16xi32>
        %add3A_150 = vector.broadcast %mul3A_60 : i32 to vector<16xi32>
        %add3A_151 = arith.addi %add3A_150, %mul3A_149 : vector<16xi32>
        %add3A_152 = arith.constant 2 : i32
        %add3A_153 = vector.broadcast %add3A_152 : i32 to vector<16xi32>
        %add3A_154 = arith.addi %add3A_151, %add3A_153 : vector<16xi32>
        %gather3A_155 = tpu.vector_load_idx %arg13[%add3A_154] : memref<3200xi32, #tpu.memory_space<vmem>>[vector<16xi32>], vector<16xi32>,
        %mul3A_156 = arith.constant 4 : i32
        %mul3A_157 = vector.broadcast %mul3A_156 : i32 to vector<16xi32>
        %mul3A_158 = arith.muli %mul3A_157, %iota3A : vector<16xi32>
        %add3A_159 = vector.broadcast %mul3A_60 : i32 to vector<16xi32>
        %add3A_160 = arith.addi %add3A_159, %mul3A_158 : vector<16xi32>
        %add3A_161 = arith.constant 3 : i32
        %add3A_162 = vector.broadcast %add3A_161 : i32 to vector<16xi32>
        %add3A_163 = arith.addi %add3A_160, %add3A_162 : vector<16xi32>
        %gather3A_164 = tpu.vector_load_idx %arg13[%add3A_163] : memref<3200xi32, #tpu.memory_space<vmem>>[vector<16xi32>], vector<16xi32>,
        %gather3A_165 = tpu.vector_load_idx %arg10[%gather3A_137] : memref<100096xf32, #tpu.memory_space<vmem>>[vector<16xi32>], vector<16xf32>,
        %max3A = arith.maximumf %gather3A_165, %mul3A_128 : vector<16xf32>
        tpu.vector_store_idx %arg10[%gather3A_137], %max3A : memref<100096xf32, #tpu.memory_space<vmem>>[vector<16xi32>], vector<16xf32>,
        %gather3A_166 = tpu.vector_load_idx %arg10[%gather3A_146] : memref<100096xf32, #tpu.memory_space<vmem>>[vector<16xi32>], vector<16xf32>,
        %max3A_167 = arith.maximumf %gather3A_166, %mul3A_128 : vector<16xf32>
        tpu.vector_store_idx %arg10[%gather3A_146], %max3A_167 : memref<100096xf32, #tpu.memory_space<vmem>>[vector<16xi32>], vector<16xf32>,
        %gather3A_168 = tpu.vector_load_idx %arg10[%gather3A_155] : memref<100096xf32, #tpu.memory_space<vmem>>[vector<16xi32>], vector<16xf32>,
        %max3A_169 = arith.maximumf %gather3A_168, %mul3A_128 : vector<16xf32>
        tpu.vector_store_idx %arg10[%gather3A_155], %max3A_169 : memref<100096xf32, #tpu.memory_space<vmem>>[vector<16xi32>], vector<16xf32>,
        %gather3A_170 = tpu.vector_load_idx %arg10[%gather3A_164] : memref<100096xf32, #tpu.memory_space<vmem>>[vector<16xi32>], vector<16xf32>,
        %max3A_171 = arith.maximumf %gather3A_170, %mul3A_128 : vector<16xf32>
        tpu.vector_store_idx %arg10[%gather3A_164], %max3A_171 : memref<100096xf32, #tpu.memory_space<vmem>>[vector<16xi32>], vector<16xf32>,
        %gather3A_172 = tpu.vector_load_idx %arg10[%gather3A_137] : memref<100096xf32, #tpu.memory_space<vmem>>[vector<16xi32>], vector<16xf32>,
        %lt3A = arith.cmpf olt, %gather3A_172, %mul3A_128 : vector<16xf32>
        %convert_element_type3A = arith.extui %lt3A : vector<16xi1> to vector<16xi32>
        %gather3A_173 = tpu.vector_load_idx %arg10[%gather3A_146] : memref<100096xf32, #tpu.memory_space<vmem>>[vector<16xi32>], vector<16xf32>,
        %lt3A_174 = arith.cmpf olt, %gather3A_173, %mul3A_128 : vector<16xf32>
        %convert_element_type3A_175 = arith.extui %lt3A_174 : vector<16xi1> to vector<16xi32>
        %gather3A_176 = tpu.vector_load_idx %arg10[%gather3A_155] : memref<100096xf32, #tpu.memory_space<vmem>>[vector<16xi32>], vector<16xf32>,
        %lt3A_177 = arith.cmpf olt, %gather3A_176, %mul3A_128 : vector<16xf32>
        %convert_element_type3A_178 = arith.extui %lt3A_177 : vector<16xi1> to vector<16xi32>
        %gather3A_179 = tpu.vector_load_idx %arg10[%gather3A_164] : memref<100096xf32, #tpu.memory_space<vmem>>[vector<16xi32>], vector<16xf32>,
        %lt3A_180 = arith.cmpf olt, %gather3A_179, %mul3A_128 : vector<16xf32>
        %convert_element_type3A_181 = arith.extui %lt3A_180 : vector<16xi1> to vector<16xi32>
        %while3A:4 = scf.while (%while3A_182 = %convert_element_type3A, %while3A_183 = %convert_element_type3A_175, %while3A_184 = %convert_element_type3A_178, %while3A_185 = %convert_element_type3A_181) : (vector<16xi32>, vector<16xi32>, vector<16xi32>, vector<16xi32>) -> (vector<16xi32>, vector<16xi32>, vector<16xi32>, vector<16xi32>) {
          %or3A = arith.ori %while3A_182, %while3A_183 : vector<16xi32>
          %or3A_186 = arith.ori %or3A, %while3A_184 : vector<16xi32>
          %or3A_187 = arith.ori %or3A_186, %while3A_185 : vector<16xi32>
          %reduce_max3A = arith.constant true
          %reduce_max3A_188 = vector.broadcast %reduce_max3A : i1 to vector<16xi1>
          %reduce_max3A_189 = arith.constant -2147483648 : i32
          %reduce_max3A_190 = vector.broadcast %reduce_max3A_189 : i32 to vector<16xi32>
          %reduce_max3A_191 = arith.xori %or3A_187, %reduce_max3A_190 : vector<16xi32>
          %reduce_max3A_192 = tpu.scan <max>, %reduce_max3A_191 masked %reduce_max3A_188 : vector<16xi32>, vector<16xi1> -> vector<16xi32>
          %reduce_max3A_193 = arith.xori %reduce_max3A_192, %reduce_max3A_190 : vector<16xi32>
          %reduce_max3A_194 = vector.extract %reduce_max3A_193[15] : i32 from vector<16xi32>
          %gt3A = arith.constant 0 : i32
          %gt3A_195 = arith.cmpi sgt, %reduce_max3A_194, %gt3A : i32
          scf.condition(%gt3A_195) %while3A_182, %while3A_183, %while3A_184, %while3A_185 : vector<16xi32>, vector<16xi32>, vector<16xi32>, vector<16xi32>
        } do {
        ^bb0(%while3A_182: vector<16xi32>, %while3A_183: vector<16xi32>, %while3A_184: vector<16xi32>, %while3A_185: vector<16xi32>):
          %gt3A = arith.constant 0 : i32
          %gt3A_186 = vector.broadcast %gt3A : i32 to vector<16xi32>
          %gt3A_187 = arith.cmpi sgt, %while3A_182, %gt3A_186 : vector<16xi32>
          %gather3A_188 = tpu.vector_load_idx %arg10[%gather3A_137] : memref<100096xf32, #tpu.memory_space<vmem>>[vector<16xi32>], vector<16xf32>,
          %max3A_189 = arith.maximumf %gather3A_188, %mul3A_128 : vector<16xf32>
          tpu.vector_store_idx %arg10[%gather3A_137], %max3A_189 masked %gt3A_187 : memref<100096xf32, #tpu.memory_space<vmem>>[vector<16xi32>], vector<16xf32>, vector<16xi1>
          %gt3A_190 = arith.constant 0 : i32
          %gt3A_191 = vector.broadcast %gt3A_190 : i32 to vector<16xi32>
          %gt3A_192 = arith.cmpi sgt, %while3A_183, %gt3A_191 : vector<16xi32>
          %gather3A_193 = tpu.vector_load_idx %arg10[%gather3A_146] : memref<100096xf32, #tpu.memory_space<vmem>>[vector<16xi32>], vector<16xf32>,
          %max3A_194 = arith.maximumf %gather3A_193, %mul3A_128 : vector<16xf32>
          tpu.vector_store_idx %arg10[%gather3A_146], %max3A_194 masked %gt3A_192 : memref<100096xf32, #tpu.memory_space<vmem>>[vector<16xi32>], vector<16xf32>, vector<16xi1>
          %gt3A_195 = arith.constant 0 : i32
          %gt3A_196 = vector.broadcast %gt3A_195 : i32 to vector<16xi32>
          %gt3A_197 = arith.cmpi sgt, %while3A_184, %gt3A_196 : vector<16xi32>
          %gather3A_198 = tpu.vector_load_idx %arg10[%gather3A_155] : memref<100096xf32, #tpu.memory_space<vmem>>[vector<16xi32>], vector<16xf32>,
          %max3A_199 = arith.maximumf %gather3A_198, %mul3A_128 : vector<16xf32>
          tpu.vector_store_idx %arg10[%gather3A_155], %max3A_199 masked %gt3A_197 : memref<100096xf32, #tpu.memory_space<vmem>>[vector<16xi32>], vector<16xf32>, vector<16xi1>
          %gt3A_200 = arith.constant 0 : i32
          %gt3A_201 = vector.broadcast %gt3A_200 : i32 to vector<16xi32>
          %gt3A_202 = arith.cmpi sgt, %while3A_185, %gt3A_201 : vector<16xi32>
          %gather3A_203 = tpu.vector_load_idx %arg10[%gather3A_164] : memref<100096xf32, #tpu.memory_space<vmem>>[vector<16xi32>], vector<16xf32>,
          %max3A_204 = arith.maximumf %gather3A_203, %mul3A_128 : vector<16xf32>
          tpu.vector_store_idx %arg10[%gather3A_164], %max3A_204 masked %gt3A_202 : memref<100096xf32, #tpu.memory_space<vmem>>[vector<16xi32>], vector<16xf32>, vector<16xi1>
          %gather3A_205 = tpu.vector_load_idx %arg10[%gather3A_137] : memref<100096xf32, #tpu.memory_space<vmem>>[vector<16xi32>], vector<16xf32>,
          %gt3A_206 = arith.constant 0 : i32
          %gt3A_207 = vector.broadcast %gt3A_206 : i32 to vector<16xi32>
          %gt3A_208 = arith.cmpi sgt, %while3A_182, %gt3A_207 : vector<16xi32>
          %lt3A_209 = arith.cmpf olt, %gather3A_205, %mul3A_128 : vector<16xf32>
          %and3A = arith.andi %gt3A_208, %lt3A_209 : vector<16xi1>
          %convert_element_type3A_210 = arith.extui %and3A : vector<16xi1> to vector<16xi32>
          %gather3A_211 = tpu.vector_load_idx %arg10[%gather3A_146] : memref<100096xf32, #tpu.memory_space<vmem>>[vector<16xi32>], vector<16xf32>,
          %gt3A_212 = arith.constant 0 : i32
          %gt3A_213 = vector.broadcast %gt3A_212 : i32 to vector<16xi32>
          %gt3A_214 = arith.cmpi sgt, %while3A_183, %gt3A_213 : vector<16xi32>
          %lt3A_215 = arith.cmpf olt, %gather3A_211, %mul3A_128 : vector<16xf32>
          %and3A_216 = arith.andi %gt3A_214, %lt3A_215 : vector<16xi1>
          %convert_element_type3A_217 = arith.extui %and3A_216 : vector<16xi1> to vector<16xi32>
          %gather3A_218 = tpu.vector_load_idx %arg10[%gather3A_155] : memref<100096xf32, #tpu.memory_space<vmem>>[vector<16xi32>], vector<16xf32>,
          %gt3A_219 = arith.constant 0 : i32
          %gt3A_220 = vector.broadcast %gt3A_219 : i32 to vector<16xi32>
          %gt3A_221 = arith.cmpi sgt, %while3A_184, %gt3A_220 : vector<16xi32>
          %lt3A_222 = arith.cmpf olt, %gather3A_218, %mul3A_128 : vector<16xf32>
          %and3A_223 = arith.andi %gt3A_221, %lt3A_222 : vector<16xi1>
          %convert_element_type3A_224 = arith.extui %and3A_223 : vector<16xi1> to vector<16xi32>
          %gather3A_225 = tpu.vector_load_idx %arg10[%gather3A_164] : memref<100096xf32, #tpu.memory_space<vmem>>[vector<16xi32>], vector<16xf32>,
          %gt3A_226 = arith.constant 0 : i32
          %gt3A_227 = vector.broadcast %gt3A_226 : i32 to vector<16xi32>
          %gt3A_228 = arith.cmpi sgt, %while3A_185, %gt3A_227 : vector<16xi32>
          %lt3A_229 = arith.cmpf olt, %gather3A_225, %mul3A_128 : vector<16xf32>
          %and3A_230 = arith.andi %gt3A_228, %lt3A_229 : vector<16xi1>
          %convert_element_type3A_231 = arith.extui %and3A_230 : vector<16xi1> to vector<16xi32>
          scf.yield %convert_element_type3A_210, %convert_element_type3A_217, %convert_element_type3A_224, %convert_element_type3A_231 : vector<16xi32>, vector<16xi32>, vector<16xi32>, vector<16xi32>
        }
      }
      %scan3A_57 = arith.constant 50 : i32
    }
    %scan3A_31 = arith.constant 125 : i32
    %mul3A_32 = arith.constant 100096 : i32
    %mul3A_33 = arith.muli %add3A, %mul3A_32 : i32
    "tpu.region"() ({
      %run_scoped3A = tpu.sem_alloc : memref<!tpu.dma_semaphore, #tpu.memory_space<semaphore_mem>>
      %dma_start3A = tpu.memref_slice %arg6[%mul3A_33] : memref<3203072xf32, #tpu.memory_space<hbm>> -> memref<100096xf32, #tpu.memory_space<hbm>>
      %dma_start3A_34 = tpu.memref_slice %arg6[%mul3A_33] : memref<3203072xf32, #tpu.memory_space<hbm>> -> memref<100096xf32, #tpu.memory_space<hbm>>
      tpu.enqueue_dma source(%arg10 : memref<100096xf32, #tpu.memory_space<vmem>>) target(%dma_start3A_34 : memref<100096xf32, #tpu.memory_space<hbm>>) target_semaphore(%run_scoped3A : memref<!tpu.dma_semaphore, #tpu.memory_space<semaphore_mem>>)
      %dma_wait3A = tpu.memref_slice %arg6[%mul3A_33] : memref<3203072xf32, #tpu.memory_space<hbm>> -> memref<100096xf32, #tpu.memory_space<hbm>>
      %dma_wait3A_35 = tpu.memref_slice %arg6[%mul3A_33] : memref<3203072xf32, #tpu.memory_space<hbm>> -> memref<100096xf32, #tpu.memory_space<hbm>>
      tpu.wait_dma2 semaphore(%run_scoped3A : memref<!tpu.dma_semaphore, #tpu.memory_space<semaphore_mem>>) src(%arg10 : memref<100096xf32, #tpu.memory_space<vmem>>) dst(%dma_wait3A_35 : memref<100096xf32, #tpu.memory_space<hbm>>)
      tpu.yield
    }) : () -> ()
    return
  }
}

module attributes {stable_mosaic.version = 14 : i64} {
  func.func @_tc_reduce_body(%arg0: memref<32x100096xf32, #tpu.memory_space<vmem>>, %arg1: memref<100096xf32, #tpu.memory_space<vmem>>) attributes {dimension_semantics = [], scalar_prefetch = 0 : i64, scratch_operands = 0 : i64, tpu.core_type = #tpu.core_type<tc>} {
    %get3A = arith.constant 0 : index
    %get3A_0 = arith.constant 0 : index
    %get3A_1 = vector.load %arg0[%get3A, %get3A_0] : memref<32x100096xf32, #tpu.memory_space<vmem>>, vector<32x100096xf32>
    %reduce_max3A = arith.constant dense<0xFF800000> : vector<100096xf32>
    %reduce_max3A_2 = vector.multi_reduction <maximumf>, %get3A_1, %reduce_max3A [0] : vector<32x100096xf32> to vector<100096xf32>
    %swap3A = arith.constant 0 : index
    %swap3A_3 = vector.load %arg1[%swap3A] : memref<100096xf32, #tpu.memory_space<vmem>>, vector<100096xf32>
    tpu.vector_store %arg1[%swap3A], %reduce_max3A_2 {strides = array<i32>} : memref<100096xf32, #tpu.memory_space<vmem>>, vector<100096xf32>,
    return
  }
}

</mosaic_0001>

<sc_bundles>
// kernel: kernel.4.cloned.1.call-start
scs
__scs_entry_jumppad:
0x0: {  	(pc) =	sbr.rel $0x88, $3  }
0x1: {  	(tag) =	ssettag $0x0;
	lr =	simm.s32 $0x1  }
0x2: {  	[smem:$0x3F9F] =	sst lr;
	_ =	strace $0xD0000000  }
0x3: {  	_ = 	snop  }
0x4: {  	_ = 	snop  }
0x5: {  	_ = 	snop  }
0x6: {  	_ = 	snop  }
0x7: {  	_ = 	snop  }
__scs_overlays_trampoline_lowered:
0x8: {  	[smem:$0x3FAE] =	sst s0  }
0x9: {  	[smem:$0x3FAF] =	sst s1  }
0xa: {  	[smem:$0x3FB0] =	sst s2  }
0xb: {  	[smem:$0x3FB1] =	sst s3  }
0xc: {  	[smem:$0x3FB2] =	sst s4  }
0xd: {  	[smem:$0x3FB3] =	sst s5  }
0xe: {  	[smem:$0x3FB4] =	sst s6  }
0xf: {  	[smem:$0x3FB5] =	sst s7  }
0x10: {  	[smem:$0x3FB6] =	sst s8  }
0x11: {  	[smem:$0x3FB7] =	sst s9;
	s0 =	simm.s32 @!p0 $0x0  }
0x12: {  	s1 =	sld [smem:$0x3F9D];
	s0 =	simm.s32 @p0 $0x1  }
0x13: {  	[smem:$0x3FB8] =	sst s0;
	s0 =	simm.s32 @!p1 $0x0  }
0x14: {  	s2 =	sld [smem:$0x3F9C];
	s0 =	simm.s32 @p1 $0x1  }
0x15: {  	[smem:$0x3FB9] =	sst s0;
	s0 =	simm.s32 @!p2 $0x0  }
0x16: {  	s3 =	sld [smem:$0x3FDB];
	s0 =	simm.s32 @p2 $0x1  }
0x17: {  	s4 =	simm.s32 $0x1BF5;
	[smem:$0x3FBB] =	sst s0  }
0x18: {  	s0 =	sld [smem:$0x3F9E];
	_ =	swait.ge [sflag:s4], $0x0  }
0x19: {  	s7 =	sld [smem:$0x3F9F]  }
0x1a: {  	s8 =	sadd.s32 $0xFFFFE003, lr  }
0x1b: {  	s9 =	sadd.s32 $0xFFFFFEF7, lr;
	s5 =	simm.s32 $0xFFFFFFFF;
	p2 =	slt.u32 s8, $0xFFFFF086  }
0x1c: {  	p1 =	slt.u32 s9, $0xF7A;
	s5 =	simm.s32 @!p2 $0x0  }
0x1d: {  	s5 =	simm.s32 @p1 $0x1;
	p0 =	seq.s32 s7, s2  }
0x1e: {  	s7 =	smul.u32 @!p0 $0xF7A, s2;
	p2 =	seq.s32 @!p0 s5, $0x0  }
0x1f: {  	s9 =	smul.u32 $0xF7A, s1;
	s8 =	simm.s32 @!p0 $0x1BF5;
	p2 =	por !p2, p0  }
0x20: {  	[sflag:s8] =	ssyncset.s32 @!p0 $0xFFFFF086;
	s6 =	sadd.s32 @!p0 s3, s7;
	s7 =	simm.s32 @!p0 $0x108  }
0x21: {  	s3 =	sadd.s32 s3, s9;
	s6 =	sadd.s32 @!p0 $0x88, s6;
	s7 =	simm.s32 @p2 $0x1082  }
0x22: {  	[simem:s7], [sflag:s8] =	dma.local @!p0 [hbm:s6], $0xF7A  }
0x23: {  	s9 =	sor.u32 $0xD0000000, s2;
	s6 =	simm.s32 $0x108;
	_ =	swait.ge @!p0 [sflag:s8], $0x0  }
0x24: {  	s3 =	sadd.s32 $0x88, s3;
	s6 =	simm.s32 @!p1 $0x1082;
	[sflag:s4] =	ssyncset.s32 $0xFFFFF086  }
0x25: {  	[simem:s6], [sflag:s4] =	dma.local [hbm:s3], $0xF7A  }
0x26: {  	[smem:$0x3F9F] =	sst s1;
	(tag) =	ssettag s2;
	_ =	strace s9  }
0x27: {  	s1 =	sld [smem:$0x3FAF]  }
0x28: {  	s2 =	sld [smem:$0x3FB0]  }
0x29: {  	s4 =	sld [smem:$0x3FB2]  }
0x2a: {  	p0 =	seq.s32 s5, $0x0;
	s5 =	sld [smem:$0x3FB3]  }
0x2b: {  	s6 =	sld [smem:$0x3FB4]  }
0x2c: {  	s7 =	sld [smem:$0x3FB5]  }
0x2d: {  	s3 =	simm.s32 $0x108;
	s8 =	sld [smem:$0x3FB6]  }
0x2e: {  	s3 =	simm.s32 @!p0 $0x1082;
	s9 =	sld [smem:$0x3FB7]  }
0x2f: {  	lr =	sadd.s32 s0, s3;
	s0 =	sld [smem:$0x3FAE]  }
0x30: {  	s3 =	sld [smem:$0x3FB1]  }
0x31: {  	[smem:$0x3FBA] =	sst s10  }
0x32: {  	s10 =	sld [smem:$0x3FB8];
	_ =	sdelay $0x3  }
0x33: {  	p0 =	seq.s32 s10, $0x1;
	s10 =	sld [smem:$0x3FBA];
	_ =	sdelay $0x3  }
0x34: {  	[smem:$0x3FBA] =	sst s10  }
0x35: {  	s10 =	sld [smem:$0x3FB9];
	_ =	sdelay $0x3  }
0x36: {  	p1 =	seq.s32 s10, $0x1;
	s10 =	sld [smem:$0x3FBA];
	_ =	sdelay $0x3  }
0x37: {  	[smem:$0x3FBA] =	sst s10  }
0x38: {  	s10 =	sld [smem:$0x3FBB]  }
0x39: {  	_ = 	snop;
	(pc) =	sbr.ind lr, $3  }
0x3a: {  	_ = 	snop  }
0x3b: {  	_ = 	snop  }
0x3c: {  	p2 =	seq.s32 s10, $0x1;
	s10 =	sld [smem:$0x3FBA]  }
0x3d: {  	_ =	shalt  }
0x3e: {  	_ =	shalt  }
0x3f: {  	_ =	shalt  }
0x40: {  	_ =	shalt  }
0x41: {  	_ =	shalt  }
0x42: {  	_ =	shalt  }
0x43: {  	_ =	shalt  }
0x44: {  	_ =	shalt  }
0x45: {  	_ =	shalt  }
0x46: {  	_ =	shalt  }
0x47: {  	_ =	shalt  }
0x48: {  	_ =	shalt  }
0x49: {  	_ =	shalt  }
0x4a: {  	_ =	shalt  }
0x4b: {  	_ =	shalt  }
0x4c: {  	_ =	shalt  }
0x4d: {  	_ =	shalt  }
0x4e: {  	_ =	shalt  }
0x4f: {  	_ =	shalt  }
0x50: {  	_ =	shalt  }
0x51: {  	_ =	shalt  }
0x52: {  	_ =	shalt  }
0x53: {  	_ =	shalt  }
0x54: {  	_ =	shalt  }
0x55: {  	_ =	shalt  }
0x56: {  	_ =	shalt  }
0x57: {  	_ =	shalt  }
0x58: {  	_ =	shalt  }
0x59: {  	_ =	shalt  }
0x5a: {  	_ =	shalt  }
0x5b: {  	_ =	shalt  }
0x5c: {  	_ =	shalt  }
0x5d: {  	_ =	shalt  }
0x5e: {  	_ =	shalt  }
0x5f: {  	_ =	shalt  }
0x60: {  	_ =	shalt  }
0x61: {  	_ =	shalt  }
0x62: {  	_ =	shalt  }
0x63: {  	_ =	shalt  }
0x64: {  	_ =	shalt  }
0x65: {  	_ =	shalt  }
0x66: {  	_ =	shalt  }
0x67: {  	_ =	shalt  }
0x68: {  	_ =	shalt  }
0x69: {  	_ =	shalt  }
0x6a: {  	_ =	shalt  }
0x6b: {  	_ =	shalt  }
0x6c: {  	_ =	shalt  }
0x6d: {  	_ =	shalt  }
0x6e: {  	_ =	shalt  }
0x6f: {  	_ =	shalt  }
0x70: {  	_ =	shalt  }
0x71: {  	_ =	shalt  }
0x72: {  	_ =	shalt  }
0x73: {  	_ =	shalt  }
0x74: {  	_ =	shalt  }
0x75: {  	_ =	shalt  }
0x76: {  	_ =	shalt  }
0x77: {  	_ =	shalt  }
0x78: {  	_ =	shalt  }
0x79: {  	_ =	shalt  }
0x7a: {  	_ =	shalt  }
0x7b: {  	_ =	shalt  }
0x7c: {  	_ =	shalt  }
0x7d: {  	_ =	shalt  }
0x7e: {  	_ =	shalt  }
0x7f: {  	_ =	shalt  }
0x80: {  	_ =	shalt  }
0x81: {  	_ =	shalt  }
0x82: {  	_ =	shalt  }
0x83: {  	_ =	shalt  }
0x84: {  	_ =	shalt  }
0x85: {  	_ =	shalt  }
0x86: {  	_ =	shalt  }
0x87: {  	_ =	shalt  }
.Lfunc_end0:
.L_simem_size_0:
called_computation_lowered:
.L_overlay_start_0:
0x88: {  	s2 =	sld [smem:$0x3FD9]  }
0x89: {  	s3 =	sld [smem:$0x3FFE];
	_ =	sdelay $0x1  }
0x8a: {  	s1 =	srdreg.scid  }
0x8b: {  	s0 =	sand.u32 $0x1, s1  }
0x8c: {  	s17 =	sshll.u32 s0, $0xA;
	s2 =	sadd.s32 s3, s2  }
0x8d: {  	s2 =	sadd.s32 s2, s17  }
0x8e: {  	[smem:$0x3FC6] =	sst s2  }
0x8f: {  	_ = 	snop  }
0x90: {  	s2 =	sld [smem:$0x3FD0];
	(tm) =	ssettm $0x1  }
0x91: {  	s18 =	sld [smem:$0x3FFB];
	_ =	sdelay $0x3  }
0x92: {  	_ =	strace s18  }
0x93: {  	s3 =	sld [smem:$0x3FFC];
	_ =	sdelay $0x3  }
0x94: {  	_ =	strace s3  }
0x95: {  	s3 =	sld [smem:$0x3FFD];
	_ =	sdelay $0x3  }
0x96: {  	_ =	strace s3  }
0x97: {  	_ =	strace $0x8FFFFFFF  }
0x98: {  	s19 =	sld [smem:$0x3FDB];
	_ =	sdelay $0x1  }
0x99: {  	s4 =	simm.s32 $_scs_section_size  }
0x9a: {  	s5 =	simm.s32 $_size__tile_overlayer_lowered;
	s6 =	simm.s32 $_tile_overlayer_lowered  }
0x9b: {  	s22 =	simm.s32 $0x1BFF;
	s21 =	sshll.u32 s6, $0x1;
	s3 =	sadd.s32 s4, s19  }
0x9c: {  	s7 =	simm.s32 $0x0;
	s20 =	sshll.u32 s5, $0x1;
	s5 =	sadd.s32 s21, s3  }
0x9d: {  	[timem:s7], [sflag:s22] =	dma.local [hbm:s5], s20  }
0x9e: {  	_ =	swait.ge [sflag:s22], s20  }
0x9f: {  	s4 =	ssub.s32 $0x0, s20;
	[sflag:s22] =	ssyncset.done $0x0  }
0xa0: {  	[sflag:s22] =	ssyncadd.s32 s4;
	_ =	sdelay $0x1  }
0xa1: {  	s23 =	simm.s32 $0x1B8B  }
0xa2: {  	_ =	swait.ge [sflag:s23], $0x1  }
0xa3: {  	[sflag:s23] =	ssyncset.done $0x0  }
0xa4: {  	s25 =	simm.s32 $0x1B8E;
	s24 =	sld [smem:$0x3FFE];
	[sflag:s23] =	ssyncadd.s32 $0xFFFFFFFF  }
0xa5: {  	s26 =	simm.s32 $execute0_lowered;
	[smem:$0x3FD2] =	sst s25  }
0xa6: {  	s5 =	sshll.u32 s26, $0x1;
	_ =	strace $0x80000046;
	[dreg:$0x1] =	wrdreg $0xFFFFFFFF  }
0xa7: {  	s28 =	simm.s32 $_size_execute0_lowered;
	s3 =	sadd.s32 s3, s5;
	[dreg:$0x0] =	wrdreg $0x0  }
0xa8: {  	s5 =	sshll.u32 s28, $0x1;
	[dreg:$0x2] =	wrdreg s3  }
0xa9: {  	[dreg:$0x3] =	wrdreg s5  }
0xaa: {  	[dreg:$0x4] =	wrdreg $0xC0  }
0xab: {  	_ =	task [dreg:s7], $0x5FFFF  }
0xac: {  	[dreg:$0x1] =	wrdreg $0xFFFFFFFF  }
0xad: {  	[dreg:$0x0] =	wrdreg $0x60  }
0xae: {  	[dreg:$0x2] =	wrdreg s24  }
0xaf: {  	[dreg:$0x3] =	wrdreg s2  }
0xb0: {  	[dreg:$0x4] =	wrdreg $0x9  }
0xb1: {  	_ =	task.clear_ibuf [dreg:s7], $0x5FFFF;
	_ =	strace $0x90000046  }
0xb2: {  	s29 =	simm.s32 $0x9;
	_ =	strace $0x80000048  }
0xb3: {  	_ =	swait.ge [sflag:s29], $0x1  }
0xb4: {  	[sflag:s29] =	ssyncadd.s32 $0xFFFFFFFF  }
0xb5: {  	_ =	strace $0x90000048  }
0xb6: {  	_ =	sfence  }
0xb7: {  	s30 =	sld [smem:$0x0];
	_ =	sdelay $0x2  }
0xb8: {  	s31 =	sshll.u32 s1, $0xD;
	s1 =	sshrl.u32 s1, $0x2  }
0xb9: {  	s3 =	sand.u32 $0x4000, s31;
	s1 =	sadd.s32 s1, s30  }
0xba: {  	s0 =	sor.u32 s3, s0;
	s1 =	sshll.u32 s1, $0x11  }
0xbb: {  	s0 =	sor.u32 s1, s0  }
0xbc: {  	s0 =	sadd.s32 $0x8F2B, s0  }
0xbd: {  	[sflag:s0] =	ssyncadd.remote.s32 $0x1  }
0xbe: {  	_ =	sfence.sel $0xFFFF  }
0xbf: {  	[dreg:$0x0] =	wrdreg $0xFFFFFFFF;
	(pc) =	sbr.abs _section_cstart, $3  }
0xc0: {  	[dreg:$0x1] =	wrdreg $0xFFFFFFFF  }
0xc1: {  	_ =	task.clear_ibuf [dreg:s7], $0x2FFFF;
	_ =	strace $0x9FFFFFFF  }
0xc2: {  	(tm) =	ssettm $0x7FFFFFFF  }
0xc3: {  	_ =	shalt  }
tec
execute0_lowered:
.L_overlay_start_1:
0x0: {  	(tag) =	ssettag $0x1  }
0x1: {  	s2 =	rddreg [dreg:$0x0]  }
0x2: {  	s3 =	rddreg [dreg:$0x1]  }
0x3: {  	s0 =	rddreg [dreg:$0x2];
	s5 =	srdreg.scid  }
0x4: {  	s1 =	stileid.u32;
	s4 =	simm.s32 $0x0;
	s14 =	simm.s32 $0x18700  }
0x5: {  	s15 =	simm.s32 $0x1A640;
	s16 =	simm.s32 $0x1C580;
	s17 =	simm.s32 $0x1D200  }
0x6: {  	s18 =	simm.s32 $0x1DE80;
	s19 =	simm.s32 $0x1EB00;
	s20 =	simm.s32 $0x1  }
0x7: {  	s21 =	simm.s32 $0x0;
	s7 =	sand.u32 $0x1, s5;
	s31 =	sshll.u32 s1, $0x1  }
0x8: {  	[smem:$0x7FF] =	sst s4;
	s5 =	sadd.s32 $0x3200, s2;
	s6 =	sadd.s32 $0x30DA400, s2  }
.Ltmp0:
0x9: {  	v0 =	vlaneseq.u32;
	s9 =	sadd.s32 $0x313800, s2;
	s10 =	sor.u32 s7, s31;
	(pc) =	sbr.rel .LBB2_1-.Ltmp0, $4  }
0xa: {  	v1 =	vand.u32 $0x1, v0;
	v0 =	vmul.u32 $0x4, v0;
	_ =	strace $0x80000047;
	s11 =	ssub.s32 $0x2, s7;
	s8 =	smul.u32 $0x30E0, s10  }
0xb: {  	s7 =	sadd.s32 $0x6400, s2;
	v2 =	vmul.u32 $0x4, v1;
	s13 =	sshrl.u32 s11, $0x1;
	s10 =	smul.u32 $0x61A80, s10  }
0xc: {  	v6 =	vimm.s32 $0x0;
	v1 =	vimm.f32 $0.0e+00;
	v3 =	vor.u32 $0x1, v0;
	s13 =	ssub.s32 s11, s13;
	s12 =	sadd.s32 s8, s2;
	s8 =	sadd.s32 $0x18CE00, s2  }
0xd: {  	v4 =	vor.u32 $0x2, v0;
	v5 =	vor.u32 $0x3, v0;
	v2 =	vor.u32 $0xFFFFFFF8, v2;
	s11 =	sadd.s32 $0x49A200, s12;
	s12 =	smax.u32 s13, $0x1;
	s13 =	simm.s32 $0x2  }
.LBB2_21:
0xe: {  	s21 =	sadd.s32 $0x1, s21  }
0xf: {  	p0 =	sne.s32 s21, s12  }
.Ltmp1:
0x10: {  	_ = 	snop;
	(pc) =	sbr.rel @!p0 .LBB2_22-.Ltmp1, $4  }
0x11: {  	[hbm4b:s11+s4] =	stream.linear.scatter [tilespmem:s4], [sflag:$0x2], $0x18700, $0x38;
	[tilespmem:$0x1F780] =	vst v63  }
0x12: {  	_ =	swait.ge [sflag:s13], $0x18700  }
0x13: {  	[sflag:s13] =	ssyncset.done $0x0  }
0x14: {  	[sflag:s13] =	ssyncadd.s32 $0xFFFE7900  }
.LBB2_1:
0x15: {  	[tilespmem:s4], [sflag:$0x2] =	stream.linear.gather [hbm4b:s5+s4], $0x186A0, $0x38;
	[tilespmem:$0x1F780] =	vst v63  }
0x16: {  	_ =	swait.ge [sflag:s13], $0x186A0  }
0x17: {  	[sflag:s13] =	ssyncset.done $0x0  }
0x18: {  	s22 =	simm.s32 $0x0;
	[sflag:s13] =	ssyncadd.s32 $0xFFFE7960  }
.LBB2_2:
0x19: {  	s23 =	smul.u32 $0x1F40, s22;
	_ =	sdelay $0x1  }
0x1a: {  	s23 =	sadd.s32 s10, s23  }
0x1b: {  	s23 =	sshrl.u32 s23, $0x3  }
0x1c: {  	s25 =	simm.s32 $0x0;
	s24 =	sadd.s32 s6, s23  }
0x1d: {  	[tilespmem:s14], [sflag:$0x2] =	stream.linear.gather [hbm4b:s24+s25], $0x1F40, $0x38;
	[tilespmem:$0x1F780] =	vst v63  }
0x1e: {  	_ =	swait.ge [sflag:s13], $0x1F40  }
0x1f: {  	[sflag:s13] =	ssyncset.done $0x0  }
0x20: {  	s24 =	simm.s32 $0x0;
	[sflag:s13] =	ssyncadd.s32 $0xFFFFE0C0  }
0x21: {  	v7 =	vld [tilespmem:s24+$0x18700];
	_ =	sdelay $0x5  }
0x22: {  	v8 =	vld [tilespmem:s24+$0x18710];
	_ =	sdelay $0x1  }
0x23: {  	v7 =	vld.idx.msk [tilespmem:v7+s4+$0x0], $0xffff;
	_ =	sdelay $0x4  }
0x24: {  	v9 =	vld [tilespmem:s24+$0x18720];
	[tilespmem:s24+$0x1A640] =	vst v7  }
0x25: {  	v7 =	vld.idx.msk [tilespmem:v8+s4+$0x0], $0xffff;
	_ =	sdelay $0x4  }
0x26: {  	[tilespmem:s24+$0x1A650] =	vst v7;
	v7 =	vld [tilespmem:s24+$0x18730];
	_ =	sdelay $0x1  }
0x27: {  	v8 =	vld.idx.msk [tilespmem:v9+s4+$0x0], $0xffff;
	_ =	sdelay $0x3  }
0x28: {  	s26 =	simm.s32 $0x40;
	s25 =	simm.s32 $0x200  }
.LBB2_3:
0x29: {  	p0 =	sne.s32 s25, $0x7C00;
	v9 =	vld [tilespmem:s26+$0x18700];
	[tilespmem:s24+$0x1A660] =	vst v8  }
0x2a: {  	v7 =	vld.idx.msk [tilespmem:v7+s4+$0x0], $0xffff;
	_ =	sdelay $0x5  }
0x2b: {  	v8 =	vld [tilespmem:s26+$0x18710];
	[tilespmem:s24+$0x1A670] =	vst v7;
	s24 =	smov.u32 s26  }
0x2c: {  	v7 =	vld.idx.msk [tilespmem:v9+s4+$0x0], $0xffff;
	_ =	sdelay $0x5  }
0x2d: {  	[tilespmem:s24+$0x1A640] =	vst v7;
	v9 =	vld [tilespmem:s24+$0x18720]  }
0x2e: {  	v7 =	vld.idx.msk [tilespmem:v8+s4+$0x0], $0xffff;
	_ =	sdelay $0x5  }
0x2f: {  	[tilespmem:s24+$0x1A650] =	vst v7;
	v7 =	vld [tilespmem:s24+$0x18730]  }
0x30: {  	v8 =	vld.idx.msk [tilespmem:v9+s4+$0x0], $0xffff  }
.Ltmp2:
0x31: {  	(pc) =	sbr.rel @p0 .LBB2_3-.Ltmp2, $2  }
0x32: {  	_ =	sdelay $0x2  }
0x33: {  	s26 =	sshra.s32 s25, $0x2;
	s25 =	sadd.s32 $0x100, s25  }
0x34: {  	_ =	sdelay $0x1  }
0x35: {  	v9 =	vld [tilespmem:s26+$0x18700]  }
0x36: {  	[tilespmem:s24+$0x1A660] =	vst v8  }
0x37: {  	v7 =	vld.idx.msk [tilespmem:v7+s4+$0x0], $0xffff;
	_ =	sdelay $0x3  }
0x38: {  	v8 =	vld [tilespmem:s26+$0x18710]  }
0x39: {  	[tilespmem:s24+$0x1A670] =	vst v7  }
0x3a: {  	v7 =	vld.idx.msk [tilespmem:v9+s4+$0x0], $0xffff;
	_ =	sdelay $0x4  }
0x3b: {  	[tilespmem:s26+$0x1A640] =	vst v7;
	v7 =	vld [tilespmem:s26+$0x18720]  }
0x3c: {  	v8 =	vld.idx.msk [tilespmem:v8+s4+$0x0], $0xffff;
	_ =	sdelay $0x4  }
0x3d: {  	[tilespmem:s26+$0x1A650] =	vst v8;
	v8 =	vld [tilespmem:s26+$0x18730];
	_ =	sdelay $0x1  }
0x3e: {  	v7 =	vld.idx.msk [tilespmem:v7+s4+$0x0], $0xffff;
	_ =	sdelay $0x4  }
0x3f: {  	[tilespmem:s26+$0x1A660] =	vst v7  }
0x40: {  	v7 =	vld.idx.msk [tilespmem:v8+s4+$0x0], $0xffff;
	_ =	sdelay $0x2  }
0x41: {  	s22 =	sadd.s32 $0x1, s22  }
0x42: {  	p0 =	sne.s32 s22, $0x32  }
.Ltmp3:
0x43: {  	s23 =	sadd.s32 s7, s23;
	[tilespmem:s26+$0x1A670] =	vst v7;
	(pc) =	sbr.rel @p0 .LBB2_2-.Ltmp3, $4  }
0x44: {  	[hbm4b:s23+s4] =	stream.linear.scatter [tilespmem:s15], [sflag:$0x2], $0x1F40, $0x38;
	[tilespmem:$0x1F780] =	vst v63  }
0x45: {  	_ =	swait.ge [sflag:s13], $0x1F40  }
0x46: {  	[sflag:s13] =	ssyncset.done $0x0  }
0x47: {  	[sflag:s13] =	ssyncadd.s32 $0xFFFFE0C0  }
0x48: {  	s22 =	simm.s32 $0x0  }
0x49: {  	[tilespmem:s22], [sflag:$0x2] =	stream.linear.gather [hbm4b:s2+s22], $0x186A0, $0x38;
	[tilespmem:$0x1F780] =	vst v63  }
0x4a: {  	_ =	swait.ge [sflag:s13], $0x186A0  }
0x4b: {  	[sflag:s13] =	ssyncset.done $0x0  }
0x4c: {  	s23 =	simm.s32 $0x0;
	[sflag:s13] =	ssyncadd.s32 $0xFFFE7960  }
.LBB2_6:
0x4d: {  	s24 =	smul.u32 $0x1F40, s23;
	_ =	sdelay $0x1  }
0x4e: {  	s24 =	sadd.s32 s10, s24  }
0x4f: {  	s24 =	sshrl.u32 s24, $0x3  }
0x50: {  	s25 =	sadd.s32 s6, s24  }
0x51: {  	[tilespmem:s14], [sflag:$0x2] =	stream.linear.gather [hbm4b:s25+s22], $0x1F40, $0x38;
	[tilespmem:$0x1F780] =	vst v63  }
0x52: {  	_ =	swait.ge [sflag:s13], $0x1F40  }
0x53: {  	[sflag:s13] =	ssyncset.done $0x0  }
0x54: {  	s25 =	simm.s32 $0x0;
	[sflag:s13] =	ssyncadd.s32 $0xFFFFE0C0  }
0x55: {  	v7 =	vld [tilespmem:s25+$0x18700];
	_ =	sdelay $0x5  }
0x56: {  	v8 =	vld [tilespmem:s25+$0x18710];
	_ =	sdelay $0x1  }
0x57: {  	v7 =	vld.idx.msk [tilespmem:v7+s4+$0x0], $0xffff;
	_ =	sdelay $0x4  }
0x58: {  	v9 =	vld [tilespmem:s25+$0x18720];
	[tilespmem:s25+$0x1A640] =	vst v7  }
0x59: {  	v7 =	vld.idx.msk [tilespmem:v8+s4+$0x0], $0xffff;
	_ =	sdelay $0x4  }
0x5a: {  	[tilespmem:s25+$0x1A650] =	vst v7;
	v7 =	vld [tilespmem:s25+$0x18730];
	_ =	sdelay $0x1  }
0x5b: {  	v8 =	vld.idx.msk [tilespmem:v9+s4+$0x0], $0xffff;
	_ =	sdelay $0x3  }
0x5c: {  	s28 =	simm.s32 $0x40;
	s26 =	simm.s32 $0x200  }
.LBB2_7:
0x5d: {  	p0 =	sne.s32 s26, $0x7C00;
	v9 =	vld [tilespmem:s28+$0x18700];
	[tilespmem:s25+$0x1A660] =	vst v8  }
0x5e: {  	v7 =	vld.idx.msk [tilespmem:v7+s4+$0x0], $0xffff;
	_ =	sdelay $0x5  }
0x5f: {  	v8 =	vld [tilespmem:s28+$0x18710];
	[tilespmem:s25+$0x1A670] =	vst v7;
	s25 =	smov.u32 s28  }
0x60: {  	v7 =	vld.idx.msk [tilespmem:v9+s4+$0x0], $0xffff;
	_ =	sdelay $0x5  }
0x61: {  	[tilespmem:s25+$0x1A640] =	vst v7;
	v9 =	vld [tilespmem:s25+$0x18720]  }
0x62: {  	v7 =	vld.idx.msk [tilespmem:v8+s4+$0x0], $0xffff;
	_ =	sdelay $0x5  }
0x63: {  	[tilespmem:s25+$0x1A650] =	vst v7;
	v7 =	vld [tilespmem:s25+$0x18730]  }
0x64: {  	v8 =	vld.idx.msk [tilespmem:v9+s4+$0x0], $0xffff  }
.Ltmp4:
0x65: {  	(pc) =	sbr.rel @p0 .LBB2_7-.Ltmp4, $2  }
0x66: {  	_ =	sdelay $0x2  }
0x67: {  	s28 =	sshra.s32 s26, $0x2;
	s26 =	sadd.s32 $0x100, s26  }
0x68: {  	_ =	sdelay $0x1  }
0x69: {  	v9 =	vld [tilespmem:s28+$0x18700]  }
0x6a: {  	[tilespmem:s25+$0x1A660] =	vst v8  }
0x6b: {  	v7 =	vld.idx.msk [tilespmem:v7+s4+$0x0], $0xffff;
	_ =	sdelay $0x3  }
0x6c: {  	v8 =	vld [tilespmem:s28+$0x18710]  }
0x6d: {  	[tilespmem:s25+$0x1A670] =	vst v7  }
0x6e: {  	v7 =	vld.idx.msk [tilespmem:v9+s4+$0x0], $0xffff;
	_ =	sdelay $0x4  }
0x6f: {  	[tilespmem:s28+$0x1A640] =	vst v7;
	v7 =	vld [tilespmem:s28+$0x18720]  }
0x70: {  	v8 =	vld.idx.msk [tilespmem:v8+s4+$0x0], $0xffff;
	_ =	sdelay $0x4  }
0x71: {  	[tilespmem:s28+$0x1A650] =	vst v8;
	v8 =	vld [tilespmem:s28+$0x18730];
	_ =	sdelay $0x1  }
0x72: {  	v7 =	vld.idx.msk [tilespmem:v7+s4+$0x0], $0xffff;
	_ =	sdelay $0x4  }
0x73: {  	[tilespmem:s28+$0x1A660] =	vst v7  }
0x74: {  	v7 =	vld.idx.msk [tilespmem:v8+s4+$0x0], $0xffff;
	_ =	sdelay $0x2  }
0x75: {  	s23 =	sadd.s32 $0x1, s23  }
0x76: {  	p0 =	sne.s32 s23, $0x32  }
.Ltmp5:
0x77: {  	s24 =	sadd.s32 s8, s24;
	[tilespmem:s28+$0x1A670] =	vst v7;
	(pc) =	sbr.rel @p0 .LBB2_6-.Ltmp5, $4  }
0x78: {  	[hbm4b:s24+s4] =	stream.linear.scatter [tilespmem:s15], [sflag:$0x2], $0x1F40, $0x38;
	[tilespmem:$0x1F780] =	vst v63  }
0x79: {  	_ =	swait.ge [sflag:s13], $0x1F40  }
0x7a: {  	[sflag:s13] =	ssyncset.done $0x0  }
0x7b: {  	[sflag:s13] =	ssyncadd.s32 $0xFFFFE0C0  }
0x7c: {  	s23 =	simm.s32 $0x0  }
0x7d: {  	[tilespmem:s23], [sflag:$0x2] =	stream.linear.gather [hbm4b:s3+s23], $0x186A0, $0x38;
	[tilespmem:$0x1F780] =	vst v63  }
0x7e: {  	_ =	swait.ge [sflag:s13], $0x186A0  }
0x7f: {  	[sflag:s13] =	ssyncset.done $0x0  }
0x80: {  	s24 =	simm.s32 $0x0;
	[sflag:s13] =	ssyncadd.s32 $0xFFFE7960  }
.LBB2_10:
0x81: {  	s22 =	smul.u32 $0x1F40, s24;
	_ =	sdelay $0x1  }
0x82: {  	s22 =	sadd.s32 s10, s22  }
0x83: {  	s22 =	sshrl.u32 s22, $0x3  }
0x84: {  	s25 =	sadd.s32 s6, s22  }
0x85: {  	[tilespmem:s14], [sflag:$0x2] =	stream.linear.gather [hbm4b:s25+s23], $0x1F40, $0x38;
	[tilespmem:$0x1F780] =	vst v63  }
0x86: {  	_ =	swait.ge [sflag:s13], $0x1F40  }
0x87: {  	[sflag:s13] =	ssyncset.done $0x0  }
0x88: {  	s25 =	simm.s32 $0x0;
	[sflag:s13] =	ssyncadd.s32 $0xFFFFE0C0  }
0x89: {  	v7 =	vld [tilespmem:s25+$0x18700];
	_ =	sdelay $0x5  }
0x8a: {  	v8 =	vld [tilespmem:s25+$0x18710];
	_ =	sdelay $0x1  }
0x8b: {  	v7 =	vld.idx.msk [tilespmem:v7+s4+$0x0], $0xffff;
	_ =	sdelay $0x4  }
0x8c: {  	v9 =	vld [tilespmem:s25+$0x18720];
	[tilespmem:s25+$0x1A640] =	vst v7  }
0x8d: {  	v7 =	vld.idx.msk [tilespmem:v8+s4+$0x0], $0xffff;
	_ =	sdelay $0x4  }
0x8e: {  	[tilespmem:s25+$0x1A650] =	vst v7;
	v7 =	vld [tilespmem:s25+$0x18730];
	_ =	sdelay $0x1  }
0x8f: {  	v8 =	vld.idx.msk [tilespmem:v9+s4+$0x0], $0xffff;
	_ =	sdelay $0x3  }
0x90: {  	s28 =	simm.s32 $0x40;
	s26 =	simm.s32 $0x200  }
.LBB2_11:
0x91: {  	p0 =	sne.s32 s26, $0x7C00;
	v9 =	vld [tilespmem:s28+$0x18700];
	[tilespmem:s25+$0x1A660] =	vst v8  }
0x92: {  	v7 =	vld.idx.msk [tilespmem:v7+s4+$0x0], $0xffff;
	_ =	sdelay $0x5  }
0x93: {  	v8 =	vld [tilespmem:s28+$0x18710];
	[tilespmem:s25+$0x1A670] =	vst v7;
	s25 =	smov.u32 s28  }
0x94: {  	v7 =	vld.idx.msk [tilespmem:v9+s4+$0x0], $0xffff;
	_ =	sdelay $0x5  }
0x95: {  	[tilespmem:s25+$0x1A640] =	vst v7;
	v9 =	vld [tilespmem:s25+$0x18720]  }
0x96: {  	v7 =	vld.idx.msk [tilespmem:v8+s4+$0x0], $0xffff;
	_ =	sdelay $0x5  }
0x97: {  	[tilespmem:s25+$0x1A650] =	vst v7;
	v7 =	vld [tilespmem:s25+$0x18730]  }
0x98: {  	v8 =	vld.idx.msk [tilespmem:v9+s4+$0x0], $0xffff  }
.Ltmp6:
0x99: {  	(pc) =	sbr.rel @p0 .LBB2_11-.Ltmp6, $2  }
0x9a: {  	_ =	sdelay $0x2  }
0x9b: {  	s28 =	sshra.s32 s26, $0x2;
	s26 =	sadd.s32 $0x100, s26  }
0x9c: {  	_ =	sdelay $0x1  }
0x9d: {  	v9 =	vld [tilespmem:s28+$0x18700]  }
0x9e: {  	[tilespmem:s25+$0x1A660] =	vst v8  }
0x9f: {  	v7 =	vld.idx.msk [tilespmem:v7+s4+$0x0], $0xffff;
	_ =	sdelay $0x3  }
0xa0: {  	v8 =	vld [tilespmem:s28+$0x18710]  }
0xa1: {  	[tilespmem:s25+$0x1A670] =	vst v7  }
0xa2: {  	v7 =	vld.idx.msk [tilespmem:v9+s4+$0x0], $0xffff;
	_ =	sdelay $0x4  }
0xa3: {  	[tilespmem:s28+$0x1A640] =	vst v7;
	v7 =	vld [tilespmem:s28+$0x18720]  }
0xa4: {  	v8 =	vld.idx.msk [tilespmem:v8+s4+$0x0], $0xffff;
	_ =	sdelay $0x4  }
0xa5: {  	[tilespmem:s28+$0x1A650] =	vst v8;
	v8 =	vld [tilespmem:s28+$0x18730];
	_ =	sdelay $0x1  }
0xa6: {  	v7 =	vld.idx.msk [tilespmem:v7+s4+$0x0], $0xffff;
	_ =	sdelay $0x4  }
0xa7: {  	[tilespmem:s28+$0x1A660] =	vst v7  }
0xa8: {  	v7 =	vld.idx.msk [tilespmem:v8+s4+$0x0], $0xffff;
	_ =	sdelay $0x2  }
0xa9: {  	s24 =	sadd.s32 $0x1, s24  }
0xaa: {  	p0 =	sne.s32 s24, $0x32  }
.Ltmp7:
0xab: {  	s31 =	sadd.s32 s9, s22;
	s22 =	simm.s32 $0x0;
	[tilespmem:s28+$0x1A670] =	vst v7;
	(pc) =	sbr.rel @p0 .LBB2_10-.Ltmp7, $4  }
0xac: {  	[hbm4b:s31+s22] =	stream.linear.scatter [tilespmem:s15], [sflag:$0x2], $0x1F40, $0x38;
	[tilespmem:$0x1F780] =	vst v63  }
0xad: {  	_ =	swait.ge [sflag:s13], $0x1F40  }
0xae: {  	[sflag:s13] =	ssyncset.done $0x0  }
0xaf: {  	[sflag:s13] =	ssyncadd.s32 $0xFFFFE0C0  }
0xb0: {  	s23 =	simm.s32 $0x40;
	s24 =	simm.s32 $0x0  }
.LBB2_14:
0xb1: {  	p0 =	sne.s32 s23, $0x61BC0;
	[tilespmem:s24+$0x0] =	vst v1;
	s24 =	smov.u32 s23;
	s23 =	sadd.s32 $0x40, s23  }
.Ltmp8:
0xb2: {  	(pc) =	sbr.rel @p0 .LBB2_14-.Ltmp8, $2  }
0xb3: {  	_ =	sdelay $0x2  }
0xb4: {  	s24 =	sshra.s32 s24, $0x2  }
.Ltmp9:
0xb5: {  	(pc) =	sbr.rel .LBB2_16-.Ltmp9, $2  }
0xb6: {  	_ =	sdelay $0x2  }
0xb7: {  	[tilespmem:s24+$0x0] =	vst v1  }
.LBB2_20:
0xb8: {  	s22 =	sadd.s32 $0x1, s22  }
0xb9: {  	p0 =	sne.s32 s22, $0x7D  }
.Ltmp10:
0xba: {  	_ = 	snop;
	(pc) =	sbr.rel @!p0 .LBB2_21-.Ltmp10, $1  }
0xbb: {  	_ =	sdelay $0x3  }
.LBB2_16:
0xbc: {  	s23 =	smul.u32 $0xC80, s22;
	_ =	sdelay $0x1  }
0xbd: {  	s23 =	sadd.s32 s10, s23  }
0xbe: {  	s24 =	sshrl.u32 s23, $0x3  }
0xbf: {  	s23 =	simm.s32 $0x0;
	s25 =	sadd.s32 s6, s24  }
0xc0: {  	[tilespmem:s16], [sflag:$0x1] =	stream.linear.gather [hbm4b:s25+s23], $0xC80, $0x38;
	[tilespmem:$0x1F780] =	vst v63  }
0xc1: {  	s30 =	sadd.s32 s7, s24  }
0xc2: {  	[tilespmem:s17], [sflag:$0x1] =	stream.linear.gather [hbm4b:s30+s23], $0xC80, $0x38;
	[tilespmem:$0x1F780] =	vst v63  }
0xc3: {  	s31 =	sadd.s32 s8, s24  }
0xc4: {  	[tilespmem:s18], [sflag:$0x1] =	stream.linear.gather [hbm4b:s31+s23], $0xC80, $0x38;
	[tilespmem:$0x1F780] =	vst v63  }
0xc5: {  	s24 =	sadd.s32 s9, s24  }
0xc6: {  	[tilespmem:s19], [sflag:$0x1] =	stream.linear.gather [hbm4b:s24+s23], $0xC80, $0x38;
	[tilespmem:$0x1F780] =	vst v63  }
0xc7: {  	_ =	swait.ge [sflag:s20], $0xC80  }
0xc8: {  	[sflag:s20] =	ssyncset.done $0x0  }
0xc9: {  	[sflag:s20] =	ssyncadd.s32 $0xFFFFF380  }
0xca: {  	_ =	swait.ge [sflag:s20], $0xC80  }
0xcb: {  	[sflag:s20] =	ssyncset.done $0x0  }
0xcc: {  	[sflag:s20] =	ssyncadd.s32 $0xFFFFF380  }
0xcd: {  	_ =	swait.ge [sflag:s20], $0xC80  }
.Ltmp11:
0xce: {  	[sflag:s20] =	ssyncset.done $0x0;
	(pc) =	sbr.rel .LBB2_17-.Ltmp11, $4  }
0xcf: {  	[sflag:s20] =	ssyncadd.s32 $0xFFFFF380  }
0xd0: {  	_ =	swait.ge [sflag:s20], $0xC80  }
0xd1: {  	[sflag:s20] =	ssyncset.done $0x0  }
0xd2: {  	[sflag:s20] =	ssyncadd.s32 $0xFFFFF380  }
.LBB2_19:
0xd3: {  	s23 =	sadd.s32 $0x1, s23  }
0xd4: {  	p0 =	sne.s32 s23, $0x32  }
.Ltmp12:
0xd5: {  	_ = 	snop;
	(pc) =	sbr.rel @!p0 .LBB2_20-.Ltmp12, $1  }
0xd6: {  	_ =	sdelay $0x3  }
.LBB2_17:
0xd7: {  	s24 =	sshll.u32 s23, $0x6  }
0xd8: {  	v10 =	vor.u32 s24, v4;
	_ =	sdelay $0x2  }
0xd9: {  	v11 =	vor.u32 s24, v5  }
0xda: {  	v7 =	vor.u32 s24, v0  }
0xdb: {  	v7 =	vand.u32 v2, v7;
	v13 =	vld.idx.msk [tilespmem:v10+s17+$0x0], $0xffff  }
0xdc: {  	v14 =	vld.idx.msk [tilespmem:v10+s18+$0x0], $0xffff  }
0xdd: {  	v16 =	vld.idx.msk [tilespmem:v10+s19+$0x0], $0xffff  }
0xde: {  	v17 =	vld.idx.msk [tilespmem:v11+s18+$0x0], $0xffff  }
0xdf: {  	v18 =	vld.idx.msk [tilespmem:v11+s19+$0x0], $0xffff  }
0xe0: {  	v15 =	vor.u32 s24, v3;
	v9 =	vld.idx.msk [tilespmem:v7+s18+$0x0], $0xffff  }
0xe1: {  	v12 =	vld.idx.msk [tilespmem:v7+s19+$0x0], $0xffff  }
0xe2: {  	v19 =	vld.idx.msk [tilespmem:v11+s17+$0x0], $0xffff  }
0xe3: {  	v8 =	vld.idx.msk [tilespmem:v7+s17+$0x0], $0xffff;
	_ =	sdelay $0x1  }
0xe4: {  	v20 =	vld.idx.msk [tilespmem:v15+s17+$0x0], $0xffff  }
0xe5: {  	v21 =	vld.idx.msk [tilespmem:v15+s18+$0x0], $0xffff;
	v14 =	vsub.f32 v14, v9;
	v16 =	vsub.f32 v16, v12  }
0xe6: {  	v17 =	vsub.f32 v17, v9;
	v18 =	vsub.f32 v18, v12  }
0xe7: {  	v22 =	vld.idx.msk [tilespmem:v15+s19+$0x0], $0xffff;
	v13 =	vsub.f32 v13, v8;
	v19 =	vsub.f32 v19, v8  }
0xe8: {  	v23 =	vmul.f32 v18, v14;
	v24 =	vmul.f32 v17, v16  }
0xe9: {  	v7 =	vld.idx.msk [tilespmem:v7+s16+$0x0], $0xffff;
	v18 =	vmul.f32 v18, v13;
	v16 =	vmul.f32 v19, v16  }
0xea: {  	v8 =	vsub.f32 v20, v8;
	v9 =	vsub.f32 v21, v9;
	v13 =	vmul.f32 v17, v13  }
0xeb: {  	v14 =	vmul.f32 v19, v14;
	v58 =	vsub.f32 v23, v24;
	v16 =	vsub.f32 v18, v16  }
0xec: {  	v12 =	vsub.f32 v22, v12  }
0xed: {  	v13 =	vsub.f32 v13, v14;
	v8 =	vmul.f32 v58, v8;
	v9 =	vmul.f32 v16, v9;
	_ =	sdelay $0x1  }
0xee: {  	v12 =	vmul.f32 v13, v12;
	v9 =	vsub.f32 v8, v9  }
0xef: {  	v8 =	vld.idx.msk [tilespmem:v15+s16+$0x0], $0xffff  }
0xf0: {  	v59 =	vld.idx.msk [tilespmem:v7+s4+$0x0], $0xffff;
	v9 =	vadd.f32 v9, v12;
	_ =	sdelay $0x1  }
0xf1: {  	v9 =	vand.u32 $0x7FFFFFFF, v9  }
0xf2: {  	v9 =	vmul.f32 $1.666666720e-01, v9;
	_ =	sdelay $0x1  }
0xf3: {  	v10 =	vld.idx.msk [tilespmem:v10+s16+$0x0], $0xffff;
	v12 =	vmax.f32 v59, v9  }
0xf4: {  	v11 =	vld.idx.msk [tilespmem:v11+s16+$0x0], $0xffff;
	[tilespmem:v7+s4+$0x0] =	vst.idx.msk $0xffff, v12  }
0xf5: {  	v12 =	vld.idx.msk [tilespmem:v8+s4+$0x0], $0xffff;
	_ =	sdelay $0x4  }
0xf6: {  	v12 =	vmax.f32 v12, v9  }
0xf7: {  	[tilespmem:v8+s4+$0x0] =	vst.idx.msk $0xffff, v12  }
0xf8: {  	v12 =	vld.idx.msk [tilespmem:v10+s4+$0x0], $0xffff;
	_ =	sdelay $0x4  }
0xf9: {  	v12 =	vmax.f32 v12, v9  }
0xfa: {  	[tilespmem:v10+s4+$0x0] =	vst.idx.msk $0xffff, v12  }
0xfb: {  	v12 =	vld.idx.msk [tilespmem:v11+s4+$0x0], $0xffff;
	_ =	sdelay $0x4  }
0xfc: {  	v12 =	vmax.f32 v12, v9  }
0xfd: {  	[tilespmem:v11+s4+$0x0] =	vst.idx.msk $0xffff, v12  }
0xfe: {  	v12 =	vld.idx.msk [tilespmem:v7+s4+$0x0], $0xffff  }
0xff: {  	v60 =	vld.idx.msk [tilespmem:v8+s4+$0x0], $0xffff  }
0x100: {  	v61 =	vld.idx.msk [tilespmem:v10+s4+$0x0], $0xffff  }
0x101: {  	v62 =	vld.idx.msk [tilespmem:v11+s4+$0x0], $0xffff;
	_ =	sdelay $0x2  }
0x102: {  	vm0 =	vlt.f32 v12, v9;
	vm1 =	vlt.f32 v60, v9  }
0x103: {  	vm2 =	vlt.f32 v61, v9;
	vm4 =	vmor vm0, vm1  }
0x104: {  	vm3 =	vlt.f32 v62, v9;
	vm4 =	vmor vm4, vm2  }
0x105: {  	vm4 =	vmor vm4, vm3  }
0x106: {  	v63 =	vsel vm4, $0x1, v6  }
0x107: {  	v12 =	vor.u32 $0x80000000, v63  }
0x108: {  	(xrf0) =	vmax.scan.msk.u32 $0xffff, v12;
	_ =	sdelay $0x5  }
0x109: {  	v12, _, _ =	vpop (xrf0)  }
0x10a: {  	(v2sf) =	vpush v12, $0xF;
	_ =	sdelay $0xe  }
0x10b: {  	s31 =	spop (v2sf)  }
0x10c: {  	p0 =	slt.u32 s31, $0x80000001  }
.Ltmp13:
0x10d: {  	_ = 	snop;
	(pc) =	sbr.rel @p0 .LBB2_19-.Ltmp13, $1  }
0x10e: {  	_ =	sdelay $0x3  }
.LBB2_18:
0x10f: {  	v12 =	vld.idx.msk [tilespmem:v7+s4+$0x0], $0xffff;
	_ =	sdelay $0x4  }
0x110: {  	v12 =	vmax.f32 v12, v9  }
0x111: {  	[tilespmem:v7+s4+$0x0] =	vst.idx.msk vm0, v12  }
0x112: {  	v12 =	vld.idx.msk [tilespmem:v8+s4+$0x0], $0xffff;
	_ =	sdelay $0x4  }
0x113: {  	v12 =	vmax.f32 v12, v9  }
0x114: {  	[tilespmem:v8+s4+$0x0] =	vst.idx.msk vm1, v12  }
0x115: {  	v12 =	vld.idx.msk [tilespmem:v10+s4+$0x0], $0xffff;
	_ =	sdelay $0x4  }
0x116: {  	v12 =	vmax.f32 v12, v9  }
0x117: {  	[tilespmem:v10+s4+$0x0] =	vst.idx.msk vm2, v12  }
0x118: {  	v12 =	vld.idx.msk [tilespmem:v11+s4+$0x0], $0xffff;
	_ =	sdelay $0x4  }
0x119: {  	v12 =	vmax.f32 v12, v9  }
0x11a: {  	[tilespmem:v11+s4+$0x0] =	vst.idx.msk vm3, v12  }
0x11b: {  	v12 =	vld.idx.msk [tilespmem:v7+s4+$0x0], $0xffff  }
0x11c: {  	v13 =	vld.idx.msk [tilespmem:v8+s4+$0x0], $0xffff  }
0x11d: {  	v14 =	vld.idx.msk [tilespmem:v10+s4+$0x0], $0xffff  }
0x11e: {  	v15 =	vld.idx.msk [tilespmem:v11+s4+$0x0], $0xffff;
	_ =	sdelay $0x2  }
0x11f: {  	vm4 =	vlt.f32 v12, v9;
	vm5 =	vlt.f32 v13, v9  }
0x120: {  	vm0 =	vmand vm0, vm4;
	vm4 =	vlt.f32 v14, v9;
	vm1 =	vmand vm1, vm5  }
0x121: {  	vm2 =	vmand vm2, vm4;
	vm4 =	vlt.f32 v15, v9;
	vm5 =	vmor vm0, vm1  }
0x122: {  	vm3 =	vmand vm3, vm4;
	vm4 =	vmor vm5, vm2  }
0x123: {  	vm4 =	vmor vm4, vm3  }
0x124: {  	v63 =	vsel vm4, $0x1, v6  }
0x125: {  	v12 =	vor.u32 $0x80000000, v63  }
0x126: {  	(xrf0) =	vmax.scan.msk.u32 $0xffff, v12;
	_ =	sdelay $0x5  }
0x127: {  	v12, _, _ =	vpop (xrf0)  }
0x128: {  	(v2sf) =	vpush v12, $0xF;
	_ =	sdelay $0xe  }
0x129: {  	s24 =	spop (v2sf)  }
0x12a: {  	p0 =	sgt.u32 s24, $0x80000000  }
.Ltmp14:
0x12b: {  	_ = 	snop;
	(pc) =	sbr.rel @p0 .LBB2_18-.Ltmp14, $1  }
0x12c: {  	_ =	sdelay $0x3  }
.Ltmp15:
0x12d: {  	_ = 	snop;
	(pc) =	sbr.rel .LBB2_19-.Ltmp15, $1  }
0x12e: {  	_ =	sdelay $0x3  }
.LBB2_22:
0x12f: {  	_ =	sfence.sel $0x180000  }
0x130: {  	[bflag:$0x0] =	sbarrier.arrive $0xFFFF  }
0x131: {  	p0 =	sne.s32 s1, $0x0;
	_ =	strace $0x90000047  }
0x132: {  	s0 =	sadd.s32 @!p0 $0x100000, s0;
	[bflag:$0x2] =	sbarrier.arrive $0xFFFF  }
0x133: {  	[sflag:s0] =	ssyncadd.tile.s32 @!p0 $0x1;
	_ =	shalt  }
.Lfunc_end2:
_tile_overlayer_lowered:
.L_overlay_start_2:
0x134: {  	(tag) =	ssettag $0x2  }
0x135: {  	s0 =	rddreg [dreg:$0x0];
	s2 =	stileid.u32  }
0x136: {  	s1 =	rddreg [dreg:$0x1];
	p0 =	sne.s32 s2, $0x0  }
0x137: {  	s3 =	rddreg [dreg:$0x2];
	[bflag:$0x3] =	sbarrier.arrive $0xFFFF;
	s2 =	simm.s32 @!p0 $0x1C02  }
0x138: {  	[timem:s3], [sflag:s2] =	dma.local @!p0 [hbm:s0], s1  }
0x139: {  	s0 =	simm.s32 @!p0 $0x2  }
0x13a: {  	_ =	swait.ge @!p0 [sflag:s0], s1  }
0x13b: {  	s1 =	ssub.s32 @!p0 $0x0, s1;
	[sflag:s0] =	ssyncset.done @!p0 $0x0  }
0x13c: {  	[sflag:s0] =	ssyncadd.s32 @!p0 s1  }
0x13d: {  	[bflag:$0x3] =	sbarrier.arrive $0xFFFF  }
0x13e: {  	_ =	shalt  }

</sc_bundles>
